<compile_context>
chip_gen: v7x
topology: tpu7x:2x2x1
jax: 0.10.2.dev20260603
libtpu: 0.0.44.dev20260713+nightly
codegen_flags: <defaults>
</compile_context>

<pallas_src>
import functools

import jax
import jax.numpy as jnp
from jax import lax
from jax.experimental import pallas as pl
from jax.experimental.pallas import tpu as pltpu
from jax.experimental.pallas import tpu_sc as plsc

EMB = 64
HID = 64
OUT = 32
NC = 2
NS = 16
NW = NC * NS
LANES = 16


def _sc_gather(emb, idx_flat):
    m = idx_flat.shape[0]
    per_w = m // NW
    mesh = plsc.VectorSubcoreMesh(core_axis_name="c", subcore_axis_name="s")

    @functools.partial(
        pl.kernel,
        mesh=mesh,
        out_type=jax.ShapeDtypeStruct((m, EMB), jnp.float32),
        scratch_types=[
            pltpu.VMEM((per_w,), jnp.int32),
            pltpu.VMEM((512, EMB), jnp.float32),
            pltpu.SemaphoreType.DMA,
        ],
    )
    def gather_kernel(table_hbm, idx_hbm, out_hbm, i_v, rows_v, sem):
        wid = lax.axis_index("s") * NC + lax.axis_index("c")
        base = wid * per_w
        pltpu.sync_copy(idx_hbm.at[pl.ds(base, per_w)], i_v)

        @pl.loop(0, per_w, step=512)
        def _(off):
            @pl.loop(0, 512, step=LANES)
            def _(j0):
                vec = i_v[pl.ds(off + j0, LANES)]
                for t in range(LANES):
                    a = vec[t]
                    pltpu.async_copy(
                        table_hbm.at[pl.ds(a, 1)],
                        rows_v.at[pl.ds(j0 + t, 1)],
                        sem,
                    )

            pltpu.make_async_copy(
                table_hbm.at[pl.ds(0, 512)], rows_v, sem
            ).wait()
            pltpu.sync_copy(rows_v, out_hbm.at[pl.ds(base + off, 512)])

    return gather_kernel(emb, idx_flat)


def _mlp(g, w1aT, w1bT, b1, w2T, b2, w3T, b3):
    n = g.shape[0] // 2
    blk = 2048
    nb = n // blk

    def body(x1_ref, x2_ref, w1a_ref, w1b_ref, b1_ref, w2_ref, b2_ref,
             w3_ref, b3_ref, o_ref):
        a = jnp.dot(x1_ref[...], w1a_ref[...], preferred_element_type=jnp.float32)
        a = a + jnp.dot(x2_ref[...], w1b_ref[...], preferred_element_type=jnp.float32)
        a = jnp.maximum(a + b1_ref[...], 0.0)
        a = jnp.dot(a, w2_ref[...], preferred_element_type=jnp.float32) + b2_ref[...]
        a = jnp.maximum(a, 0.0)
        o_ref[...] = jnp.dot(a, w3_ref[...], preferred_element_type=jnp.float32) + b3_ref[...]

    full = lambda shape: pl.BlockSpec(shape, lambda i: (0, 0))
    return pl.pallas_call(
        body,
        grid=(nb,),
        in_specs=[
            pl.BlockSpec((blk, EMB), lambda i: (i, 0)),
            pl.BlockSpec((blk, EMB), lambda i: (i + nb, 0)),
            full((EMB, HID)),
            full((EMB, HID)),
            full((1, HID)),
            full((HID, HID)),
            full((1, HID)),
            full((HID, OUT)),
            full((1, OUT)),
        ],
        out_specs=pl.BlockSpec((blk, OUT), lambda i: (i, 0)),
        out_shape=jax.ShapeDtypeStruct((n, OUT), jnp.float32),
    )(g, g, w1aT, w1bT, b1, w2T, b2, w3T, b3)


def kernel(x, emb, w1, b1, w2, b2, w3, b3):
    xi = x.astype(jnp.int32)
    idx_flat = xi.T.reshape(-1)
    g = _sc_gather(emb, idx_flat)
    return _mlp(
        g,
        w1[:, :EMB].T,
        w1[:, EMB:].T,
        b1.reshape(1, HID),
        w2.T,
        b2.reshape(1, HID),
        w3.T,
        b3.reshape(1, OUT),
    )

# --- scband reference (transcript-rebuilt; emitter-appended) ---
"""Pipeline reference for scband-dqnembedding-35948876268153 (READ-ONLY COPY).

The authoritative reference and input builder live on the scoring server;
editing this copy changes nothing except your own understanding.
"""

import jax, jax.numpy as jnp
import numpy as np

VOCAB = 1000000
EMB = 64
HID = 64
OUT = 32
BATCH = 16384

def setup_inputs(seed: int = 0) -> dict:
    key = jax.random.key(seed)
    k_x, k_e, k1, k1b, k2, k2b, k3, k3b = jax.random.split(key, 8)
    x = jax.random.randint(k_x, (BATCH, 2), 0, VOCAB, dtype=jnp.int64 if jax.config.jax_enable_x64 else jnp.int32)
    emb = jax.random.normal(k_e, (VOCAB, EMB), dtype=jnp.float32) * 0.02
    # torch Linear convention: weight [out_features, in_features]
    w1 = jax.random.normal(k1, (HID, EMB * 2), dtype=jnp.float32) * (1.0 / np.sqrt(EMB * 2))
    b1 = jax.random.normal(k1b, (HID,), dtype=jnp.float32) * 0.01
    w2 = jax.random.normal(k2, (HID, HID), dtype=jnp.float32) * (1.0 / np.sqrt(HID))
    b2 = jax.random.normal(k2b, (HID,), dtype=jnp.float32) * 0.01
    w3 = jax.random.normal(k3, (OUT, HID), dtype=jnp.float32) * (1.0 / np.sqrt(HID))
    b3 = jax.random.normal(k3b, (OUT,), dtype=jnp.float32) * 0.01
    return {"x": x, "emb": emb, "w1": w1, "b1": b1, "w2": w2, "b2": b2, "w3": w3, "b3": b3}

def reference(x, emb, w1, b1, w2, b2, w3, b3):
    idx0 = x[:, 0].astype(jnp.int32)
    idx1 = x[:, 1].astype(jnp.int32)
    x1 = jnp.take(emb, idx0, axis=0)
    x2 = jnp.take(emb, idx1, axis=0)
    h = jnp.concatenate([x1, x2], axis=-1)
    h = jax.nn.relu(h @ w1.T + b1)
    h = jax.nn.relu(h @ w2.T + b2)
    return h @ w3.T + b3

if __name__ == "__main__":
    import jax
    _d = setup_inputs()
    print(jax.jit(kernel)(*tuple(_d.values())))

</pallas_src>

<mosaic_0001>
#map = affine_map<(d0, d1) -> (0, 0)>
#map1 = affine_map<(d0, d1) -> (0)>
module attributes {stable_mosaic.version = 14 : i64} {
  func.func @gather_kernel(%arg0: i32, %arg1: i32, %arg2: memref<1000000x64xf32, #tpu.memory_space<hbm>>, %arg3: memref<32768xi32, #tpu.memory_space<hbm>>, %arg4: memref<32768x64xf32, #tpu.memory_space<hbm>>, %arg5: memref<1024xi32, #tpu.memory_space<vmem>>, %arg6: memref<512x64xf32, #tpu.memory_space<vmem>>, %arg7: memref<!tpu.dma_semaphore, #tpu.memory_space<semaphore_mem>>) attributes {dimension_semantics = [#tpu.dimension_semantics<core_parallel>, #tpu.dimension_semantics<subcore_parallel>], iteration_bounds = array<i64: 2, 16>, scalar_prefetch = 0 : i64, scratch_operands = 3 : i64, tpu.core_type = #tpu.core_type<sc_vector_subcore>, window_params = [{transform_indices = #map}, {transform_indices = #map1}, {transform_indices = #map}]} {
    %mul3A = arith.constant 2 : i32
    %mul3A_0 = arith.muli %arg1, %mul3A : i32
    %add3A = arith.addi %mul3A_0, %arg0 : i32
    %mul3A_1 = arith.constant 1024 : i32
    %mul3A_2 = arith.muli %add3A, %mul3A_1 : i32
    "tpu.region"() ({
      %run_scoped3A = tpu.sem_alloc : memref<!tpu.dma_semaphore, #tpu.memory_space<semaphore_mem>>
      %dma_start3A = tpu.memref_slice %arg3[%mul3A_2] : memref<32768xi32, #tpu.memory_space<hbm>> -> memref<1024xi32, #tpu.memory_space<hbm>>
      %dma_start3A_7 = tpu.memref_slice %arg3[%mul3A_2] : memref<32768xi32, #tpu.memory_space<hbm>> -> memref<1024xi32, #tpu.memory_space<hbm>>
      tpu.enqueue_dma source(%dma_start3A_7 : memref<1024xi32, #tpu.memory_space<hbm>>) target(%arg5 : memref<1024xi32, #tpu.memory_space<vmem>>) target_semaphore(%run_scoped3A : memref<!tpu.dma_semaphore, #tpu.memory_space<semaphore_mem>>)
      %dma_wait3A = tpu.memref_slice %arg3[%mul3A_2] : memref<32768xi32, #tpu.memory_space<hbm>> -> memref<1024xi32, #tpu.memory_space<hbm>>
      %dma_wait3A_8 = tpu.memref_slice %arg3[%mul3A_2] : memref<32768xi32, #tpu.memory_space<hbm>> -> memref<1024xi32, #tpu.memory_space<hbm>>
      tpu.wait_dma2 semaphore(%run_scoped3A : memref<!tpu.dma_semaphore, #tpu.memory_space<semaphore_mem>>) src(%dma_wait3A_8 : memref<1024xi32, #tpu.memory_space<hbm>>) dst(%arg5 : memref<1024xi32, #tpu.memory_space<vmem>>)
      tpu.yield
    }) : () -> ()
    %scan3A = arith.constant 0 : i32
    %scan3A_3 = arith.constant 2 : i32
    %scan3A_4 = arith.addi %scan3A, %scan3A_3 : i32
    %scan3A_5 = arith.constant 1 : i32
    scf.for %scan3A_7 = %scan3A to %scan3A_4 step %scan3A_5  : i32 {
      %mul3A_8 = arith.constant 512 : i32
      %mul3A_9 = arith.muli %scan3A_7, %mul3A_8 : i32
      %add3A_10 = arith.constant 0 : i32
      %add3A_11 = arith.addi %add3A_10, %mul3A_9 : i32
      %scan3A_12 = arith.constant 0 : i32
      %scan3A_13 = arith.constant 32 : i32
      %scan3A_14 = arith.addi %scan3A_12, %scan3A_13 : i32
      %scan3A_15 = arith.constant 1 : i32
      scf.for %scan3A_23 = %scan3A_12 to %scan3A_14 step %scan3A_15  : i32 {
        %mul3A_24 = arith.constant 16 : i32
        %mul3A_25 = arith.muli %scan3A_23, %mul3A_24 : i32
        %add3A_26 = arith.constant 0 : i32
        %add3A_27 = arith.addi %add3A_26, %mul3A_25 : i32
        %add3A_28 = arith.addi %add3A_11, %add3A_27 : i32
        %get3A = arith.index_cast %add3A_28 : i32 to index
        %get3A_29 = tpu.vector_load %arg5[%get3A] {strides = array<i32>} : memref<1024xi32, #tpu.memory_space<vmem>>, vector<16xi32>,
        %get3A_30 = vector.shape_cast %get3A_29 : vector<16xi32> to vector<16xi32>
        %slice3A = vector.extract_strided_slice %get3A_30 {offsets = [0], sizes = [1], strides = [1]} : vector<16xi32> to vector<1xi32>
        %squeeze3A = vector.extract %slice3A[0] : i32 from vector<1xi32>
        %add3A_31 = arith.constant 0 : i32
        %add3A_32 = arith.addi %add3A_27, %add3A_31 : i32
        %dma_start3A = arith.constant 0 : i32
        %dma_start3A_33 = tpu.memref_slice %arg6[%add3A_32, %dma_start3A] : memref<512x64xf32, #tpu.memory_space<vmem>> -> memref<1x64xf32, #tpu.memory_space<vmem>>
        %dma_start3A_34 = arith.constant 0 : i32
        %dma_start3A_35 = tpu.memref_slice %arg2[%squeeze3A, %dma_start3A_34] : memref<1000000x64xf32, #tpu.memory_space<hbm>> -> memref<1x64xf32, #tpu.memory_space<hbm>>
        %dma_start3A_36 = arith.constant 0 : i32
        %dma_start3A_37 = tpu.memref_slice %arg6[%add3A_32, %dma_start3A_36] : memref<512x64xf32, #tpu.memory_space<vmem>> -> memref<1x64xf32, #tpu.memory_space<vmem>>
        %dma_start3A_38 = arith.constant 0 : i32
        %dma_start3A_39 = tpu.memref_slice %arg2[%squeeze3A, %dma_start3A_38] : memref<1000000x64xf32, #tpu.memory_space<hbm>> -> memref<1x64xf32, #tpu.memory_space<hbm>>
        tpu.enqueue_dma source(%dma_start3A_39 : memref<1x64xf32, #tpu.memory_space<hbm>>) target(%dma_start3A_37 : memref<1x64xf32, #tpu.memory_space<vmem>>) target_semaphore(%arg7 : memref<!tpu.dma_semaphore, #tpu.memory_space<semaphore_mem>>)
        %slice3A_40 = vector.extract_strided_slice %get3A_30 {offsets = [1], sizes = [1], strides = [1]} : vector<16xi32> to vector<1xi32>
        %squeeze3A_41 = vector.extract %slice3A_40[0] : i32 from vector<1xi32>
        %add3A_42 = arith.constant 1 : i32
        %add3A_43 = arith.addi %add3A_27, %add3A_42 : i32
        %dma_start3A_44 = arith.constant 0 : i32
        %dma_start3A_45 = tpu.memref_slice %arg6[%add3A_43, %dma_start3A_44] : memref<512x64xf32, #tpu.memory_space<vmem>> -> memref<1x64xf32, #tpu.memory_space<vmem>>
        %dma_start3A_46 = arith.constant 0 : i32
        %dma_start3A_47 = tpu.memref_slice %arg2[%squeeze3A_41, %dma_start3A_46] : memref<1000000x64xf32, #tpu.memory_space<hbm>> -> memref<1x64xf32, #tpu.memory_space<hbm>>
        %dma_start3A_48 = arith.constant 0 : i32
        %dma_start3A_49 = tpu.memref_slice %arg6[%add3A_43, %dma_start3A_48] : memref<512x64xf32, #tpu.memory_space<vmem>> -> memref<1x64xf32, #tpu.memory_space<vmem>>
        %dma_start3A_50 = arith.constant 0 : i32
        %dma_start3A_51 = tpu.memref_slice %arg2[%squeeze3A_41, %dma_start3A_50] : memref<1000000x64xf32, #tpu.memory_space<hbm>> -> memref<1x64xf32, #tpu.memory_space<hbm>>
        tpu.enqueue_dma source(%dma_start3A_51 : memref<1x64xf32, #tpu.memory_space<hbm>>) target(%dma_start3A_49 : memref<1x64xf32, #tpu.memory_space<vmem>>) target_semaphore(%arg7 : memref<!tpu.dma_semaphore, #tpu.memory_space<semaphore_mem>>)
        %slice3A_52 = vector.extract_strided_slice %get3A_30 {offsets = [2], sizes = [1], strides = [1]} : vector<16xi32> to vector<1xi32>
        %squeeze3A_53 = vector.extract %slice3A_52[0] : i32 from vector<1xi32>
        %add3A_54 = arith.constant 2 : i32
        %add3A_55 = arith.addi %add3A_27, %add3A_54 : i32
        %dma_start3A_56 = arith.constant 0 : i32
        %dma_start3A_57 = tpu.memref_slice %arg6[%add3A_55, %dma_start3A_56] : memref<512x64xf32, #tpu.memory_space<vmem>> -> memref<1x64xf32, #tpu.memory_space<vmem>>
        %dma_start3A_58 = arith.constant 0 : i32
        %dma_start3A_59 = tpu.memref_slice %arg2[%squeeze3A_53, %dma_start3A_58] : memref<1000000x64xf32, #tpu.memory_space<hbm>> -> memref<1x64xf32, #tpu.memory_space<hbm>>
        %dma_start3A_60 = arith.constant 0 : i32
        %dma_start3A_61 = tpu.memref_slice %arg6[%add3A_55, %dma_start3A_60] : memref<512x64xf32, #tpu.memory_space<vmem>> -> memref<1x64xf32, #tpu.memory_space<vmem>>
        %dma_start3A_62 = arith.constant 0 : i32
        %dma_start3A_63 = tpu.memref_slice %arg2[%squeeze3A_53, %dma_start3A_62] : memref<1000000x64xf32, #tpu.memory_space<hbm>> -> memref<1x64xf32, #tpu.memory_space<hbm>>
        tpu.enqueue_dma source(%dma_start3A_63 : memref<1x64xf32, #tpu.memory_space<hbm>>) target(%dma_start3A_61 : memref<1x64xf32, #tpu.memory_space<vmem>>) target_semaphore(%arg7 : memref<!tpu.dma_semaphore, #tpu.memory_space<semaphore_mem>>)
        %slice3A_64 = vector.extract_strided_slice %get3A_30 {offsets = [3], sizes = [1], strides = [1]} : vector<16xi32> to vector<1xi32>
        %squeeze3A_65 = vector.extract %slice3A_64[0] : i32 from vector<1xi32>
        %add3A_66 = arith.constant 3 : i32
        %add3A_67 = arith.addi %add3A_27, %add3A_66 : i32
        %dma_start3A_68 = arith.constant 0 : i32
        %dma_start3A_69 = tpu.memref_slice %arg6[%add3A_67, %dma_start3A_68] : memref<512x64xf32, #tpu.memory_space<vmem>> -> memref<1x64xf32, #tpu.memory_space<vmem>>
        %dma_start3A_70 = arith.constant 0 : i32
        %dma_start3A_71 = tpu.memref_slice %arg2[%squeeze3A_65, %dma_start3A_70] : memref<1000000x64xf32, #tpu.memory_space<hbm>> -> memref<1x64xf32, #tpu.memory_space<hbm>>
        %dma_start3A_72 = arith.constant 0 : i32
        %dma_start3A_73 = tpu.memref_slice %arg6[%add3A_67, %dma_start3A_72] : memref<512x64xf32, #tpu.memory_space<vmem>> -> memref<1x64xf32, #tpu.memory_space<vmem>>
        %dma_start3A_74 = arith.constant 0 : i32
        %dma_start3A_75 = tpu.memref_slice %arg2[%squeeze3A_65, %dma_start3A_74] : memref<1000000x64xf32, #tpu.memory_space<hbm>> -> memref<1x64xf32, #tpu.memory_space<hbm>>
        tpu.enqueue_dma source(%dma_start3A_75 : memref<1x64xf32, #tpu.memory_space<hbm>>) target(%dma_start3A_73 : memref<1x64xf32, #tpu.memory_space<vmem>>) target_semaphore(%arg7 : memref<!tpu.dma_semaphore, #tpu.memory_space<semaphore_mem>>)
        %slice3A_76 = vector.extract_strided_slice %get3A_30 {offsets = [4], sizes = [1], strides = [1]} : vector<16xi32> to vector<1xi32>
        %squeeze3A_77 = vector.extract %slice3A_76[0] : i32 from vector<1xi32>
        %add3A_78 = arith.constant 4 : i32
        %add3A_79 = arith.addi %add3A_27, %add3A_78 : i32
        %dma_start3A_80 = arith.constant 0 : i32
        %dma_start3A_81 = tpu.memref_slice %arg6[%add3A_79, %dma_start3A_80] : memref<512x64xf32, #tpu.memory_space<vmem>> -> memref<1x64xf32, #tpu.memory_space<vmem>>
        %dma_start3A_82 = arith.constant 0 : i32
        %dma_start3A_83 = tpu.memref_slice %arg2[%squeeze3A_77, %dma_start3A_82] : memref<1000000x64xf32, #tpu.memory_space<hbm>> -> memref<1x64xf32, #tpu.memory_space<hbm>>
        %dma_start3A_84 = arith.constant 0 : i32
        %dma_start3A_85 = tpu.memref_slice %arg6[%add3A_79, %dma_start3A_84] : memref<512x64xf32, #tpu.memory_space<vmem>> -> memref<1x64xf32, #tpu.memory_space<vmem>>
        %dma_start3A_86 = arith.constant 0 : i32
        %dma_start3A_87 = tpu.memref_slice %arg2[%squeeze3A_77, %dma_start3A_86] : memref<1000000x64xf32, #tpu.memory_space<hbm>> -> memref<1x64xf32, #tpu.memory_space<hbm>>
        tpu.enqueue_dma source(%dma_start3A_87 : memref<1x64xf32, #tpu.memory_space<hbm>>) target(%dma_start3A_85 : memref<1x64xf32, #tpu.memory_space<vmem>>) target_semaphore(%arg7 : memref<!tpu.dma_semaphore, #tpu.memory_space<semaphore_mem>>)
        %slice3A_88 = vector.extract_strided_slice %get3A_30 {offsets = [5], sizes = [1], strides = [1]} : vector<16xi32> to vector<1xi32>
        %squeeze3A_89 = vector.extract %slice3A_88[0] : i32 from vector<1xi32>
        %add3A_90 = arith.constant 5 : i32
        %add3A_91 = arith.addi %add3A_27, %add3A_90 : i32
        %dma_start3A_92 = arith.constant 0 : i32
        %dma_start3A_93 = tpu.memref_slice %arg6[%add3A_91, %dma_start3A_92] : memref<512x64xf32, #tpu.memory_space<vmem>> -> memref<1x64xf32, #tpu.memory_space<vmem>>
        %dma_start3A_94 = arith.constant 0 : i32
        %dma_start3A_95 = tpu.memref_slice %arg2[%squeeze3A_89, %dma_start3A_94] : memref<1000000x64xf32, #tpu.memory_space<hbm>> -> memref<1x64xf32, #tpu.memory_space<hbm>>
        %dma_start3A_96 = arith.constant 0 : i32
        %dma_start3A_97 = tpu.memref_slice %arg6[%add3A_91, %dma_start3A_96] : memref<512x64xf32, #tpu.memory_space<vmem>> -> memref<1x64xf32, #tpu.memory_space<vmem>>
        %dma_start3A_98 = arith.constant 0 : i32
        %dma_start3A_99 = tpu.memref_slice %arg2[%squeeze3A_89, %dma_start3A_98] : memref<1000000x64xf32, #tpu.memory_space<hbm>> -> memref<1x64xf32, #tpu.memory_space<hbm>>
        tpu.enqueue_dma source(%dma_start3A_99 : memref<1x64xf32, #tpu.memory_space<hbm>>) target(%dma_start3A_97 : memref<1x64xf32, #tpu.memory_space<vmem>>) target_semaphore(%arg7 : memref<!tpu.dma_semaphore, #tpu.memory_space<semaphore_mem>>)
        %slice3A_100 = vector.extract_strided_slice %get3A_30 {offsets = [6], sizes = [1], strides = [1]} : vector<16xi32> to vector<1xi32>
        %squeeze3A_101 = vector.extract %slice3A_100[0] : i32 from vector<1xi32>
        %add3A_102 = arith.constant 6 : i32
        %add3A_103 = arith.addi %add3A_27, %add3A_102 : i32
        %dma_start3A_104 = arith.constant 0 : i32
        %dma_start3A_105 = tpu.memref_slice %arg6[%add3A_103, %dma_start3A_104] : memref<512x64xf32, #tpu.memory_space<vmem>> -> memref<1x64xf32, #tpu.memory_space<vmem>>
        %dma_start3A_106 = arith.constant 0 : i32
        %dma_start3A_107 = tpu.memref_slice %arg2[%squeeze3A_101, %dma_start3A_106] : memref<1000000x64xf32, #tpu.memory_space<hbm>> -> memref<1x64xf32, #tpu.memory_space<hbm>>
        %dma_start3A_108 = arith.constant 0 : i32
        %dma_start3A_109 = tpu.memref_slice %arg6[%add3A_103, %dma_start3A_108] : memref<512x64xf32, #tpu.memory_space<vmem>> -> memref<1x64xf32, #tpu.memory_space<vmem>>
        %dma_start3A_110 = arith.constant 0 : i32
        %dma_start3A_111 = tpu.memref_slice %arg2[%squeeze3A_101, %dma_start3A_110] : memref<1000000x64xf32, #tpu.memory_space<hbm>> -> memref<1x64xf32, #tpu.memory_space<hbm>>
        tpu.enqueue_dma source(%dma_start3A_111 : memref<1x64xf32, #tpu.memory_space<hbm>>) target(%dma_start3A_109 : memref<1x64xf32, #tpu.memory_space<vmem>>) target_semaphore(%arg7 : memref<!tpu.dma_semaphore, #tpu.memory_space<semaphore_mem>>)
        %slice3A_112 = vector.extract_strided_slice %get3A_30 {offsets = [7], sizes = [1], strides = [1]} : vector<16xi32> to vector<1xi32>
        %squeeze3A_113 = vector.extract %slice3A_112[0] : i32 from vector<1xi32>
        %add3A_114 = arith.constant 7 : i32
        %add3A_115 = arith.addi %add3A_27, %add3A_114 : i32
        %dma_start3A_116 = arith.constant 0 : i32
        %dma_start3A_117 = tpu.memref_slice %arg6[%add3A_115, %dma_start3A_116] : memref<512x64xf32, #tpu.memory_space<vmem>> -> memref<1x64xf32, #tpu.memory_space<vmem>>
        %dma_start3A_118 = arith.constant 0 : i32
        %dma_start3A_119 = tpu.memref_slice %arg2[%squeeze3A_113, %dma_start3A_118] : memref<1000000x64xf32, #tpu.memory_space<hbm>> -> memref<1x64xf32, #tpu.memory_space<hbm>>
        %dma_start3A_120 = arith.constant 0 : i32
        %dma_start3A_121 = tpu.memref_slice %arg6[%add3A_115, %dma_start3A_120] : memref<512x64xf32, #tpu.memory_space<vmem>> -> memref<1x64xf32, #tpu.memory_space<vmem>>
        %dma_start3A_122 = arith.constant 0 : i32
        %dma_start3A_123 = tpu.memref_slice %arg2[%squeeze3A_113, %dma_start3A_122] : memref<1000000x64xf32, #tpu.memory_space<hbm>> -> memref<1x64xf32, #tpu.memory_space<hbm>>
        tpu.enqueue_dma source(%dma_start3A_123 : memref<1x64xf32, #tpu.memory_space<hbm>>) target(%dma_start3A_121 : memref<1x64xf32, #tpu.memory_space<vmem>>) target_semaphore(%arg7 : memref<!tpu.dma_semaphore, #tpu.memory_space<semaphore_mem>>)
        %slice3A_124 = vector.extract_strided_slice %get3A_30 {offsets = [8], sizes = [1], strides = [1]} : vector<16xi32> to vector<1xi32>
        %squeeze3A_125 = vector.extract %slice3A_124[0] : i32 from vector<1xi32>
        %add3A_126 = arith.constant 8 : i32
        %add3A_127 = arith.addi %add3A_27, %add3A_126 : i32
        %dma_start3A_128 = arith.constant 0 : i32
        %dma_start3A_129 = tpu.memref_slice %arg6[%add3A_127, %dma_start3A_128] : memref<512x64xf32, #tpu.memory_space<vmem>> -> memref<1x64xf32, #tpu.memory_space<vmem>>
        %dma_start3A_130 = arith.constant 0 : i32
        %dma_start3A_131 = tpu.memref_slice %arg2[%squeeze3A_125, %dma_start3A_130] : memref<1000000x64xf32, #tpu.memory_space<hbm>> -> memref<1x64xf32, #tpu.memory_space<hbm>>
        %dma_start3A_132 = arith.constant 0 : i32
        %dma_start3A_133 = tpu.memref_slice %arg6[%add3A_127, %dma_start3A_132] : memref<512x64xf32, #tpu.memory_space<vmem>> -> memref<1x64xf32, #tpu.memory_space<vmem>>
        %dma_start3A_134 = arith.constant 0 : i32
        %dma_start3A_135 = tpu.memref_slice %arg2[%squeeze3A_125, %dma_start3A_134] : memref<1000000x64xf32, #tpu.memory_space<hbm>> -> memref<1x64xf32, #tpu.memory_space<hbm>>
        tpu.enqueue_dma source(%dma_start3A_135 : memref<1x64xf32, #tpu.memory_space<hbm>>) target(%dma_start3A_133 : memref<1x64xf32, #tpu.memory_space<vmem>>) target_semaphore(%arg7 : memref<!tpu.dma_semaphore, #tpu.memory_space<semaphore_mem>>)
        %slice3A_136 = vector.extract_strided_slice %get3A_30 {offsets = [9], sizes = [1], strides = [1]} : vector<16xi32> to vector<1xi32>
        %squeeze3A_137 = vector.extract %slice3A_136[0] : i32 from vector<1xi32>
        %add3A_138 = arith.constant 9 : i32
        %add3A_139 = arith.addi %add3A_27, %add3A_138 : i32
        %dma_start3A_140 = arith.constant 0 : i32
        %dma_start3A_141 = tpu.memref_slice %arg6[%add3A_139, %dma_start3A_140] : memref<512x64xf32, #tpu.memory_space<vmem>> -> memref<1x64xf32, #tpu.memory_space<vmem>>
        %dma_start3A_142 = arith.constant 0 : i32
        %dma_start3A_143 = tpu.memref_slice %arg2[%squeeze3A_137, %dma_start3A_142] : memref<1000000x64xf32, #tpu.memory_space<hbm>> -> memref<1x64xf32, #tpu.memory_space<hbm>>
        %dma_start3A_144 = arith.constant 0 : i32
        %dma_start3A_145 = tpu.memref_slice %arg6[%add3A_139, %dma_start3A_144] : memref<512x64xf32, #tpu.memory_space<vmem>> -> memref<1x64xf32, #tpu.memory_space<vmem>>
        %dma_start3A_146 = arith.constant 0 : i32
        %dma_start3A_147 = tpu.memref_slice %arg2[%squeeze3A_137, %dma_start3A_146] : memref<1000000x64xf32, #tpu.memory_space<hbm>> -> memref<1x64xf32, #tpu.memory_space<hbm>>
        tpu.enqueue_dma source(%dma_start3A_147 : memref<1x64xf32, #tpu.memory_space<hbm>>) target(%dma_start3A_145 : memref<1x64xf32, #tpu.memory_space<vmem>>) target_semaphore(%arg7 : memref<!tpu.dma_semaphore, #tpu.memory_space<semaphore_mem>>)
        %slice3A_148 = vector.extract_strided_slice %get3A_30 {offsets = [10], sizes = [1], strides = [1]} : vector<16xi32> to vector<1xi32>
        %squeeze3A_149 = vector.extract %slice3A_148[0] : i32 from vector<1xi32>
        %add3A_150 = arith.constant 10 : i32
        %add3A_151 = arith.addi %add3A_27, %add3A_150 : i32
        %dma_start3A_152 = arith.constant 0 : i32
        %dma_start3A_153 = tpu.memref_slice %arg6[%add3A_151, %dma_start3A_152] : memref<512x64xf32, #tpu.memory_space<vmem>> -> memref<1x64xf32, #tpu.memory_space<vmem>>
        %dma_start3A_154 = arith.constant 0 : i32
        %dma_start3A_155 = tpu.memref_slice %arg2[%squeeze3A_149, %dma_start3A_154] : memref<1000000x64xf32, #tpu.memory_space<hbm>> -> memref<1x64xf32, #tpu.memory_space<hbm>>
        %dma_start3A_156 = arith.constant 0 : i32
        %dma_start3A_157 = tpu.memref_slice %arg6[%add3A_151, %dma_start3A_156] : memref<512x64xf32, #tpu.memory_space<vmem>> -> memref<1x64xf32, #tpu.memory_space<vmem>>
        %dma_start3A_158 = arith.constant 0 : i32
        %dma_start3A_159 = tpu.memref_slice %arg2[%squeeze3A_149, %dma_start3A_158] : memref<1000000x64xf32, #tpu.memory_space<hbm>> -> memref<1x64xf32, #tpu.memory_space<hbm>>
        tpu.enqueue_dma source(%dma_start3A_159 : memref<1x64xf32, #tpu.memory_space<hbm>>) target(%dma_start3A_157 : memref<1x64xf32, #tpu.memory_space<vmem>>) target_semaphore(%arg7 : memref<!tpu.dma_semaphore, #tpu.memory_space<semaphore_mem>>)
        %slice3A_160 = vector.extract_strided_slice %get3A_30 {offsets = [11], sizes = [1], strides = [1]} : vector<16xi32> to vector<1xi32>
        %squeeze3A_161 = vector.extract %slice3A_160[0] : i32 from vector<1xi32>
        %add3A_162 = arith.constant 11 : i32
        %add3A_163 = arith.addi %add3A_27, %add3A_162 : i32
        %dma_start3A_164 = arith.constant 0 : i32
        %dma_start3A_165 = tpu.memref_slice %arg6[%add3A_163, %dma_start3A_164] : memref<512x64xf32, #tpu.memory_space<vmem>> -> memref<1x64xf32, #tpu.memory_space<vmem>>
        %dma_start3A_166 = arith.constant 0 : i32
        %dma_start3A_167 = tpu.memref_slice %arg2[%squeeze3A_161, %dma_start3A_166] : memref<1000000x64xf32, #tpu.memory_space<hbm>> -> memref<1x64xf32, #tpu.memory_space<hbm>>
        %dma_start3A_168 = arith.constant 0 : i32
        %dma_start3A_169 = tpu.memref_slice %arg6[%add3A_163, %dma_start3A_168] : memref<512x64xf32, #tpu.memory_space<vmem>> -> memref<1x64xf32, #tpu.memory_space<vmem>>
        %dma_start3A_170 = arith.constant 0 : i32
        %dma_start3A_171 = tpu.memref_slice %arg2[%squeeze3A_161, %dma_start3A_170] : memref<1000000x64xf32, #tpu.memory_space<hbm>> -> memref<1x64xf32, #tpu.memory_space<hbm>>
        tpu.enqueue_dma source(%dma_start3A_171 : memref<1x64xf32, #tpu.memory_space<hbm>>) target(%dma_start3A_169 : memref<1x64xf32, #tpu.memory_space<vmem>>) target_semaphore(%arg7 : memref<!tpu.dma_semaphore, #tpu.memory_space<semaphore_mem>>)
        %slice3A_172 = vector.extract_strided_slice %get3A_30 {offsets = [12], sizes = [1], strides = [1]} : vector<16xi32> to vector<1xi32>
        %squeeze3A_173 = vector.extract %slice3A_172[0] : i32 from vector<1xi32>
        %add3A_174 = arith.constant 12 : i32
        %add3A_175 = arith.addi %add3A_27, %add3A_174 : i32
        %dma_start3A_176 = arith.constant 0 : i32
        %dma_start3A_177 = tpu.memref_slice %arg6[%add3A_175, %dma_start3A_176] : memref<512x64xf32, #tpu.memory_space<vmem>> -> memref<1x64xf32, #tpu.memory_space<vmem>>
        %dma_start3A_178 = arith.constant 0 : i32
        %dma_start3A_179 = tpu.memref_slice %arg2[%squeeze3A_173, %dma_start3A_178] : memref<1000000x64xf32, #tpu.memory_space<hbm>> -> memref<1x64xf32, #tpu.memory_space<hbm>>
        %dma_start3A_180 = arith.constant 0 : i32
        %dma_start3A_181 = tpu.memref_slice %arg6[%add3A_175, %dma_start3A_180] : memref<512x64xf32, #tpu.memory_space<vmem>> -> memref<1x64xf32, #tpu.memory_space<vmem>>
        %dma_start3A_182 = arith.constant 0 : i32
        %dma_start3A_183 = tpu.memref_slice %arg2[%squeeze3A_173, %dma_start3A_182] : memref<1000000x64xf32, #tpu.memory_space<hbm>> -> memref<1x64xf32, #tpu.memory_space<hbm>>
        tpu.enqueue_dma source(%dma_start3A_183 : memref<1x64xf32, #tpu.memory_space<hbm>>) target(%dma_start3A_181 : memref<1x64xf32, #tpu.memory_space<vmem>>) target_semaphore(%arg7 : memref<!tpu.dma_semaphore, #tpu.memory_space<semaphore_mem>>)
        %slice3A_184 = vector.extract_strided_slice %get3A_30 {offsets = [13], sizes = [1], strides = [1]} : vector<16xi32> to vector<1xi32>
        %squeeze3A_185 = vector.extract %slice3A_184[0] : i32 from vector<1xi32>
        %add3A_186 = arith.constant 13 : i32
        %add3A_187 = arith.addi %add3A_27, %add3A_186 : i32
        %dma_start3A_188 = arith.constant 0 : i32
        %dma_start3A_189 = tpu.memref_slice %arg6[%add3A_187, %dma_start3A_188] : memref<512x64xf32, #tpu.memory_space<vmem>> -> memref<1x64xf32, #tpu.memory_space<vmem>>
        %dma_start3A_190 = arith.constant 0 : i32
        %dma_start3A_191 = tpu.memref_slice %arg2[%squeeze3A_185, %dma_start3A_190] : memref<1000000x64xf32, #tpu.memory_space<hbm>> -> memref<1x64xf32, #tpu.memory_space<hbm>>
        %dma_start3A_192 = arith.constant 0 : i32
        %dma_start3A_193 = tpu.memref_slice %arg6[%add3A_187, %dma_start3A_192] : memref<512x64xf32, #tpu.memory_space<vmem>> -> memref<1x64xf32, #tpu.memory_space<vmem>>
        %dma_start3A_194 = arith.constant 0 : i32
        %dma_start3A_195 = tpu.memref_slice %arg2[%squeeze3A_185, %dma_start3A_194] : memref<1000000x64xf32, #tpu.memory_space<hbm>> -> memref<1x64xf32, #tpu.memory_space<hbm>>
        tpu.enqueue_dma source(%dma_start3A_195 : memref<1x64xf32, #tpu.memory_space<hbm>>) target(%dma_start3A_193 : memref<1x64xf32, #tpu.memory_space<vmem>>) target_semaphore(%arg7 : memref<!tpu.dma_semaphore, #tpu.memory_space<semaphore_mem>>)
        %slice3A_196 = vector.extract_strided_slice %get3A_30 {offsets = [14], sizes = [1], strides = [1]} : vector<16xi32> to vector<1xi32>
        %squeeze3A_197 = vector.extract %slice3A_196[0] : i32 from vector<1xi32>
        %add3A_198 = arith.constant 14 : i32
        %add3A_199 = arith.addi %add3A_27, %add3A_198 : i32
        %dma_start3A_200 = arith.constant 0 : i32
        %dma_start3A_201 = tpu.memref_slice %arg6[%add3A_199, %dma_start3A_200] : memref<512x64xf32, #tpu.memory_space<vmem>> -> memref<1x64xf32, #tpu.memory_space<vmem>>
        %dma_start3A_202 = arith.constant 0 : i32
        %dma_start3A_203 = tpu.memref_slice %arg2[%squeeze3A_197, %dma_start3A_202] : memref<1000000x64xf32, #tpu.memory_space<hbm>> -> memref<1x64xf32, #tpu.memory_space<hbm>>
        %dma_start3A_204 = arith.constant 0 : i32
        %dma_start3A_205 = tpu.memref_slice %arg6[%add3A_199, %dma_start3A_204] : memref<512x64xf32, #tpu.memory_space<vmem>> -> memref<1x64xf32, #tpu.memory_space<vmem>>
        %dma_start3A_206 = arith.constant 0 : i32
        %dma_start3A_207 = tpu.memref_slice %arg2[%squeeze3A_197, %dma_start3A_206] : memref<1000000x64xf32, #tpu.memory_space<hbm>> -> memref<1x64xf32, #tpu.memory_space<hbm>>
        tpu.enqueue_dma source(%dma_start3A_207 : memref<1x64xf32, #tpu.memory_space<hbm>>) target(%dma_start3A_205 : memref<1x64xf32, #tpu.memory_space<vmem>>) target_semaphore(%arg7 : memref<!tpu.dma_semaphore, #tpu.memory_space<semaphore_mem>>)
        %slice3A_208 = vector.extract_strided_slice %get3A_30 {offsets = [15], sizes = [1], strides = [1]} : vector<16xi32> to vector<1xi32>
        %squeeze3A_209 = vector.extract %slice3A_208[0] : i32 from vector<1xi32>
        %add3A_210 = arith.constant 15 : i32
        %add3A_211 = arith.addi %add3A_27, %add3A_210 : i32
        %dma_start3A_212 = arith.constant 0 : i32
        %dma_start3A_213 = tpu.memref_slice %arg6[%add3A_211, %dma_start3A_212] : memref<512x64xf32, #tpu.memory_space<vmem>> -> memref<1x64xf32, #tpu.memory_space<vmem>>
        %dma_start3A_214 = arith.constant 0 : i32
        %dma_start3A_215 = tpu.memref_slice %arg2[%squeeze3A_209, %dma_start3A_214] : memref<1000000x64xf32, #tpu.memory_space<hbm>> -> memref<1x64xf32, #tpu.memory_space<hbm>>
        %dma_start3A_216 = arith.constant 0 : i32
        %dma_start3A_217 = tpu.memref_slice %arg6[%add3A_211, %dma_start3A_216] : memref<512x64xf32, #tpu.memory_space<vmem>> -> memref<1x64xf32, #tpu.memory_space<vmem>>
        %dma_start3A_218 = arith.constant 0 : i32
        %dma_start3A_219 = tpu.memref_slice %arg2[%squeeze3A_209, %dma_start3A_218] : memref<1000000x64xf32, #tpu.memory_space<hbm>> -> memref<1x64xf32, #tpu.memory_space<hbm>>
        tpu.enqueue_dma source(%dma_start3A_219 : memref<1x64xf32, #tpu.memory_space<hbm>>) target(%dma_start3A_217 : memref<1x64xf32, #tpu.memory_space<vmem>>) target_semaphore(%arg7 : memref<!tpu.dma_semaphore, #tpu.memory_space<semaphore_mem>>)
      }
      %scan3A_16 = arith.constant 32 : i32
      %dma_wait3A = arith.constant 0 : i32
      %dma_wait3A_17 = arith.constant 0 : i32
      %dma_wait3A_18 = tpu.memref_slice %arg2[%dma_wait3A, %dma_wait3A_17] : memref<1000000x64xf32, #tpu.memory_space<hbm>> -> memref<512x64xf32, #tpu.memory_space<hbm>>
      %dma_wait3A_19 = arith.constant 0 : i32
      %dma_wait3A_20 = arith.constant 0 : i32
      %dma_wait3A_21 = tpu.memref_slice %arg2[%dma_wait3A_19, %dma_wait3A_20] : memref<1000000x64xf32, #tpu.memory_space<hbm>> -> memref<512x64xf32, #tpu.memory_space<hbm>>
      tpu.wait_dma2 semaphore(%arg7 : memref<!tpu.dma_semaphore, #tpu.memory_space<semaphore_mem>>) src(%dma_wait3A_21 : memref<512x64xf32, #tpu.memory_space<hbm>>) dst(%arg6 : memref<512x64xf32, #tpu.memory_space<vmem>>)
      %add3A_22 = arith.addi %mul3A_2, %add3A_11 : i32
      "tpu.region"() ({
        %run_scoped3A = tpu.sem_alloc : memref<!tpu.dma_semaphore, #tpu.memory_space<semaphore_mem>>
        %dma_start3A = arith.constant 0 : i32
        %dma_start3A_23 = tpu.memref_slice %arg4[%add3A_22, %dma_start3A] : memref<32768x64xf32, #tpu.memory_space<hbm>> -> memref<512x64xf32, #tpu.memory_space<hbm>>
        %dma_start3A_24 = arith.constant 0 : i32
        %dma_start3A_25 = tpu.memref_slice %arg4[%add3A_22, %dma_start3A_24] : memref<32768x64xf32, #tpu.memory_space<hbm>> -> memref<512x64xf32, #tpu.memory_space<hbm>>
        tpu.enqueue_dma source(%arg6 : memref<512x64xf32, #tpu.memory_space<vmem>>) target(%dma_start3A_25 : memref<512x64xf32, #tpu.memory_space<hbm>>) target_semaphore(%run_scoped3A : memref<!tpu.dma_semaphore, #tpu.memory_space<semaphore_mem>>)
        %dma_wait3A_26 = arith.constant 0 : i32
        %dma_wait3A_27 = tpu.memref_slice %arg4[%add3A_22, %dma_wait3A_26] : memref<32768x64xf32, #tpu.memory_space<hbm>> -> memref<512x64xf32, #tpu.memory_space<hbm>>
        %dma_wait3A_28 = arith.constant 0 : i32
        %dma_wait3A_29 = tpu.memref_slice %arg4[%add3A_22, %dma_wait3A_28] : memref<32768x64xf32, #tpu.memory_space<hbm>> -> memref<512x64xf32, #tpu.memory_space<hbm>>
        tpu.wait_dma2 semaphore(%run_scoped3A : memref<!tpu.dma_semaphore, #tpu.memory_space<semaphore_mem>>) src(%arg6 : memref<512x64xf32, #tpu.memory_space<vmem>>) dst(%dma_wait3A_29 : memref<512x64xf32, #tpu.memory_space<hbm>>)
        tpu.yield
      }) : () -> ()
    }
    %scan3A_6 = arith.constant 2 : i32
    return
  }
}

module attributes {stable_mosaic.version = 14 : i64} {
  func.func @body(%arg0: i32, %arg1: memref<2048x64xf32, #tpu.memory_space<vmem>>, %arg2: memref<2048x64xf32, #tpu.memory_space<vmem>>, %arg3: memref<64x64xf32, #tpu.memory_space<vmem>>, %arg4: memref<64x64xf32, #tpu.memory_space<vmem>>, %arg5: memref<1x64xf32, #tpu.memory_space<vmem>>, %arg6: memref<64x64xf32, #tpu.memory_space<vmem>>, %arg7: memref<1x64xf32, #tpu.memory_space<vmem>>, %arg8: memref<64x32xf32, #tpu.memory_space<vmem>>, %arg9: memref<1x32xf32, #tpu.memory_space<vmem>>, %arg10: memref<2048x32xf32, #tpu.memory_space<vmem>>) attributes {dimension_semantics = [#tpu.dimension_semantics<arbitrary>], iteration_bounds = array<i64: 8>, scalar_prefetch = 0 : i64, scratch_operands = 0 : i64, tpu.core_type = #tpu.core_type<tc>, window_params = [{transform_indices = @transform_0, window_bounds = array<i64: 2048, 64>}, {transform_indices = @transform_1, window_bounds = array<i64: 2048, 64>}, {pipeline_mode = #tpu.pipeline_mode<synchronous>, transform_indices = @transform_2, window_bounds = array<i64: 64, 64>}, {pipeline_mode = #tpu.pipeline_mode<synchronous>, transform_indices = @transform_3, window_bounds = array<i64: 64, 64>}, {pipeline_mode = #tpu.pipeline_mode<synchronous>, transform_indices = @transform_4, window_bounds = array<i64: 1, 64>}, {pipeline_mode = #tpu.pipeline_mode<synchronous>, transform_indices = @transform_5, window_bounds = array<i64: 64, 64>}, {pipeline_mode = #tpu.pipeline_mode<synchronous>, transform_indices = @transform_6, window_bounds = array<i64: 1, 64>}, {pipeline_mode = #tpu.pipeline_mode<synchronous>, transform_indices = @transform_7, window_bounds = array<i64: 64, 32>}, {pipeline_mode = #tpu.pipeline_mode<synchronous>, transform_indices = @transform_8, window_bounds = array<i64: 1, 32>}, {transform_indices = @transform_9, window_bounds = array<i64: 2048, 32>}]} {
    %get3A = arith.constant 0 : index
    %get3A_0 = arith.constant 0 : index
    %get3A_1 = vector.load %arg1[%get3A, %get3A_0] : memref<2048x64xf32, #tpu.memory_space<vmem>>, vector<2048x64xf32>
    %get3A_2 = arith.constant 0 : index
    %get3A_3 = arith.constant 0 : index
    %get3A_4 = vector.load %arg3[%get3A_2, %get3A_3] : memref<64x64xf32, #tpu.memory_space<vmem>>, vector<64x64xf32>
    %dot_general3A = arith.constant dense<0.000000e+00> : vector<2048x64xf32>
    %dot_general3A_5 = tpu.matmul %get3A_1, %get3A_4, %dot_general3A {dimension_numbers = #tpu.dot_dimension_numbers<[1], [0], [0], [1], [0, 0, 1, 1], [], []>, transpose_lhs_hint = false} : vector<2048x64xf32>, vector<64x64xf32>, vector<2048x64xf32> -> vector<2048x64xf32>
    %get3A_6 = arith.constant 0 : index
    %get3A_7 = arith.constant 0 : index
    %get3A_8 = vector.load %arg2[%get3A_6, %get3A_7] : memref<2048x64xf32, #tpu.memory_space<vmem>>, vector<2048x64xf32>
    %get3A_9 = arith.constant 0 : index
    %get3A_10 = arith.constant 0 : index
    %get3A_11 = vector.load %arg4[%get3A_9, %get3A_10] : memref<64x64xf32, #tpu.memory_space<vmem>>, vector<64x64xf32>
    %dot_general3A_12 = arith.constant dense<0.000000e+00> : vector<2048x64xf32>
    %dot_general3A_13 = tpu.matmul %get3A_8, %get3A_11, %dot_general3A_12 {dimension_numbers = #tpu.dot_dimension_numbers<[1], [0], [0], [1], [0, 0, 1, 1], [], []>, transpose_lhs_hint = false} : vector<2048x64xf32>, vector<64x64xf32>, vector<2048x64xf32> -> vector<2048x64xf32>
    %add3A = arith.addf %dot_general3A_5, %dot_general3A_13 : vector<2048x64xf32>
    %get3A_14 = arith.constant 0 : index
    %get3A_15 = arith.constant 0 : index
    %get3A_16 = vector.load %arg5[%get3A_14, %get3A_15] : memref<1x64xf32, #tpu.memory_space<vmem>>, vector<1x64xf32>
    %add3A_17 = vector.broadcast %get3A_16 : vector<1x64xf32> to vector<2048x64xf32>
    %add3A_18 = arith.addf %add3A, %add3A_17 : vector<2048x64xf32>
    %max3A = arith.constant 0.000000e+00 : f32
    %max3A_19 = vector.broadcast %max3A : f32 to vector<2048x64xf32>
    %max3A_20 = arith.maximumf %add3A_18, %max3A_19 : vector<2048x64xf32>
    %get3A_21 = arith.constant 0 : index
    %get3A_22 = arith.constant 0 : index
    %get3A_23 = vector.load %arg6[%get3A_21, %get3A_22] : memref<64x64xf32, #tpu.memory_space<vmem>>, vector<64x64xf32>
    %dot_general3A_24 = arith.constant dense<0.000000e+00> : vector<2048x64xf32>
    %dot_general3A_25 = tpu.matmul %max3A_20, %get3A_23, %dot_general3A_24 {dimension_numbers = #tpu.dot_dimension_numbers<[1], [0], [0], [1], [0, 0, 1, 1], [], []>, transpose_lhs_hint = false} : vector<2048x64xf32>, vector<64x64xf32>, vector<2048x64xf32> -> vector<2048x64xf32>
    %get3A_26 = arith.constant 0 : index
    %get3A_27 = arith.constant 0 : index
    %get3A_28 = vector.load %arg7[%get3A_26, %get3A_27] : memref<1x64xf32, #tpu.memory_space<vmem>>, vector<1x64xf32>
    %add3A_29 = vector.broadcast %get3A_28 : vector<1x64xf32> to vector<2048x64xf32>
    %add3A_30 = arith.addf %dot_general3A_25, %add3A_29 : vector<2048x64xf32>
    %max3A_31 = arith.constant 0.000000e+00 : f32
    %max3A_32 = vector.broadcast %max3A_31 : f32 to vector<2048x64xf32>
    %max3A_33 = arith.maximumf %add3A_30, %max3A_32 : vector<2048x64xf32>
    %get3A_34 = arith.constant 0 : index
    %get3A_35 = arith.constant 0 : index
    %get3A_36 = vector.load %arg8[%get3A_34, %get3A_35] : memref<64x32xf32, #tpu.memory_space<vmem>>, vector<64x32xf32>
    %dot_general3A_37 = arith.constant dense<0.000000e+00> : vector<2048x32xf32>
    %dot_general3A_38 = tpu.matmul %max3A_33, %get3A_36, %dot_general3A_37 {dimension_numbers = #tpu.dot_dimension_numbers<[1], [0], [0], [1], [0, 0, 1, 1], [], []>, transpose_lhs_hint = false} : vector<2048x64xf32>, vector<64x32xf32>, vector<2048x32xf32> -> vector<2048x32xf32>
    %get3A_39 = arith.constant 0 : index
    %get3A_40 = arith.constant 0 : index
    %get3A_41 = vector.load %arg9[%get3A_39, %get3A_40] : memref<1x32xf32, #tpu.memory_space<vmem>>, vector<1x32xf32>
    %add3A_42 = vector.broadcast %get3A_41 : vector<1x32xf32> to vector<2048x32xf32>
    %add3A_43 = arith.addf %dot_general3A_38, %add3A_42 : vector<2048x32xf32>
    %swap3A = arith.constant 0 : index
    %swap3A_44 = arith.constant 0 : index
    %swap3A_45 = vector.load %arg10[%swap3A, %swap3A_44] : memref<2048x32xf32, #tpu.memory_space<vmem>>, vector<2048x32xf32>
    tpu.vector_store %arg10[%swap3A, %swap3A_44], %add3A_43 {strides = array<i32>} : memref<2048x32xf32, #tpu.memory_space<vmem>>, vector<2048x32xf32>,
    return
  }
  func.func @transform_0(%arg0: i32) -> (i32, i32) {
    %c0_i32 = arith.constant 0 : i32
    %c0_i32_0 = arith.constant 0 : i32
    return %arg0, %c0_i32 : i32, i32
  }
  func.func @transform_1(%arg0: i32) -> (i32, i32) {
    %add3A = arith.constant 8 : i32
    %add3A_0 = arith.addi %arg0, %add3A : i32
    %c0_i32 = arith.constant 0 : i32
    %c0_i32_1 = arith.constant 0 : i32
    return %add3A_0, %c0_i32 : i32, i32
  }
  func.func @transform_2(%arg0: i32) -> (i32, i32) {
    %c0_i32 = arith.constant 0 : i32
    %c0_i32_0 = arith.constant 0 : i32
    %c0_i32_1 = arith.constant 0 : i32
    return %c0_i32, %c0_i32_0 : i32, i32
  }
  func.func @transform_3(%arg0: i32) -> (i32, i32) {
    %c0_i32 = arith.constant 0 : i32
    %c0_i32_0 = arith.constant 0 : i32
    %c0_i32_1 = arith.constant 0 : i32
    return %c0_i32, %c0_i32_0 : i32, i32
  }
  func.func @transform_4(%arg0: i32) -> (i32, i32) {
    %c0_i32 = arith.constant 0 : i32
    %c0_i32_0 = arith.constant 0 : i32
    %c0_i32_1 = arith.constant 0 : i32
    return %c0_i32, %c0_i32_0 : i32, i32
  }
  func.func @transform_5(%arg0: i32) -> (i32, i32) {
    %c0_i32 = arith.constant 0 : i32
    %c0_i32_0 = arith.constant 0 : i32
    %c0_i32_1 = arith.constant 0 : i32
    return %c0_i32, %c0_i32_0 : i32, i32
  }
  func.func @transform_6(%arg0: i32) -> (i32, i32) {
    %c0_i32 = arith.constant 0 : i32
    %c0_i32_0 = arith.constant 0 : i32
    %c0_i32_1 = arith.constant 0 : i32
    return %c0_i32, %c0_i32_0 : i32, i32
  }
  func.func @transform_7(%arg0: i32) -> (i32, i32) {
    %c0_i32 = arith.constant 0 : i32
    %c0_i32_0 = arith.constant 0 : i32
    %c0_i32_1 = arith.constant 0 : i32
    return %c0_i32, %c0_i32_0 : i32, i32
  }
  func.func @transform_8(%arg0: i32) -> (i32, i32) {
    %c0_i32 = arith.constant 0 : i32
    %c0_i32_0 = arith.constant 0 : i32
    %c0_i32_1 = arith.constant 0 : i32
    return %c0_i32, %c0_i32_0 : i32, i32
  }
  func.func @transform_9(%arg0: i32) -> (i32, i32) {
    %c0_i32 = arith.constant 0 : i32
    %c0_i32_0 = arith.constant 0 : i32
    return %arg0, %c0_i32 : i32, i32
  }
}

</mosaic_0001>

<sc_bundles>
// kernel: kernel.4.cloned.1.call-start
scs
__scs_entry_jumppad:
0x0: {  	(pc) =	sbr.rel $0x88, $3  }
0x1: {  	(tag) =	ssettag $0x0;
	lr =	simm.s32 $0x1  }
0x2: {  	[smem:$0x3F99] =	sst lr;
	_ =	strace $0xD0000000  }
0x3: {  	_ = 	snop  }
0x4: {  	_ = 	snop  }
0x5: {  	_ = 	snop  }
0x6: {  	_ = 	snop  }
0x7: {  	_ = 	snop  }
__scs_overlays_trampoline_lowered:
0x8: {  	[smem:$0x3FA8] =	sst s0  }
0x9: {  	[smem:$0x3FA9] =	sst s1  }
0xa: {  	[smem:$0x3FAA] =	sst s2  }
0xb: {  	[smem:$0x3FAB] =	sst s3  }
0xc: {  	[smem:$0x3FAC] =	sst s4  }
0xd: {  	[smem:$0x3FAD] =	sst s5  }
0xe: {  	[smem:$0x3FAE] =	sst s6  }
0xf: {  	[smem:$0x3FAF] =	sst s7  }
0x10: {  	[smem:$0x3FB0] =	sst s8  }
0x11: {  	[smem:$0x3FB1] =	sst s9;
	s0 =	simm.s32 @!p0 $0x0  }
0x12: {  	s1 =	sld [smem:$0x3F97];
	s0 =	simm.s32 @p0 $0x1  }
0x13: {  	[smem:$0x3FB2] =	sst s0;
	s0 =	simm.s32 @!p1 $0x0  }
0x14: {  	s2 =	sld [smem:$0x3F96];
	s0 =	simm.s32 @p1 $0x1  }
0x15: {  	[smem:$0x3FB3] =	sst s0;
	s0 =	simm.s32 @!p2 $0x0  }
0x16: {  	s3 =	sld [smem:$0x3FDB];
	s0 =	simm.s32 @p2 $0x1  }
0x17: {  	s4 =	simm.s32 $0x1BF5;
	[smem:$0x3FB5] =	sst s0  }
0x18: {  	s0 =	sld [smem:$0x3F98];
	_ =	swait.ge [sflag:s4], $0x0  }
0x19: {  	s7 =	sld [smem:$0x3F99]  }
0x1a: {  	s8 =	sadd.s32 $0xFFFFE003, lr  }
0x1b: {  	s9 =	sadd.s32 $0xFFFFFEF7, lr;
	s5 =	simm.s32 $0xFFFFFFFF;
	p2 =	slt.u32 s8, $0xFFFFF086  }
0x1c: {  	p1 =	slt.u32 s9, $0xF7A;
	s5 =	simm.s32 @!p2 $0x0  }
0x1d: {  	s5 =	simm.s32 @p1 $0x1;
	p0 =	seq.s32 s7, s2  }
0x1e: {  	s7 =	smul.u32 @!p0 $0xF7A, s2;
	p2 =	seq.s32 @!p0 s5, $0x0  }
0x1f: {  	s9 =	smul.u32 $0xF7A, s1;
	s8 =	simm.s32 @!p0 $0x1BF5;
	p2 =	por !p2, p0  }
0x20: {  	[sflag:s8] =	ssyncset.s32 @!p0 $0xFFFFF086;
	s6 =	sadd.s32 @!p0 s3, s7;
	s7 =	simm.s32 @!p0 $0x108  }
0x21: {  	s3 =	sadd.s32 s3, s9;
	s6 =	sadd.s32 @!p0 $0x88, s6;
	s7 =	simm.s32 @p2 $0x1082  }
0x22: {  	[simem:s7], [sflag:s8] =	dma.local @!p0 [hbm:s6], $0xF7A  }
0x23: {  	s9 =	sor.u32 $0xD0000000, s2;
	s6 =	simm.s32 $0x108;
	_ =	swait.ge @!p0 [sflag:s8], $0x0  }
0x24: {  	s3 =	sadd.s32 $0x88, s3;
	s6 =	simm.s32 @!p1 $0x1082;
	[sflag:s4] =	ssyncset.s32 $0xFFFFF086  }
0x25: {  	[simem:s6], [sflag:s4] =	dma.local [hbm:s3], $0xF7A  }
0x26: {  	[smem:$0x3F99] =	sst s1;
	(tag) =	ssettag s2;
	_ =	strace s9  }
0x27: {  	s1 =	sld [smem:$0x3FA9]  }
0x28: {  	s2 =	sld [smem:$0x3FAA]  }
0x29: {  	s4 =	sld [smem:$0x3FAC]  }
0x2a: {  	p0 =	seq.s32 s5, $0x0;
	s5 =	sld [smem:$0x3FAD]  }
0x2b: {  	s6 =	sld [smem:$0x3FAE]  }
0x2c: {  	s7 =	sld [smem:$0x3FAF]  }
0x2d: {  	s3 =	simm.s32 $0x108;
	s8 =	sld [smem:$0x3FB0]  }
0x2e: {  	s3 =	simm.s32 @!p0 $0x1082;
	s9 =	sld [smem:$0x3FB1]  }
0x2f: {  	lr =	sadd.s32 s0, s3;
	s0 =	sld [smem:$0x3FA8]  }
0x30: {  	s3 =	sld [smem:$0x3FAB]  }
0x31: {  	[smem:$0x3FB4] =	sst s10  }
0x32: {  	s10 =	sld [smem:$0x3FB2];
	_ =	sdelay $0x3  }
0x33: {  	p0 =	seq.s32 s10, $0x1;
	s10 =	sld [smem:$0x3FB4];
	_ =	sdelay $0x3  }
0x34: {  	[smem:$0x3FB4] =	sst s10  }
0x35: {  	s10 =	sld [smem:$0x3FB3];
	_ =	sdelay $0x3  }
0x36: {  	p1 =	seq.s32 s10, $0x1;
	s10 =	sld [smem:$0x3FB4];
	_ =	sdelay $0x3  }
0x37: {  	[smem:$0x3FB4] =	sst s10  }
0x38: {  	s10 =	sld [smem:$0x3FB5]  }
0x39: {  	_ = 	snop;
	(pc) =	sbr.ind lr, $3  }
0x3a: {  	_ = 	snop  }
0x3b: {  	_ = 	snop  }
0x3c: {  	p2 =	seq.s32 s10, $0x1;
	s10 =	sld [smem:$0x3FB4]  }
0x3d: {  	_ =	shalt  }
0x3e: {  	_ =	shalt  }
0x3f: {  	_ =	shalt  }
0x40: {  	_ =	shalt  }
0x41: {  	_ =	shalt  }
0x42: {  	_ =	shalt  }
0x43: {  	_ =	shalt  }
0x44: {  	_ =	shalt  }
0x45: {  	_ =	shalt  }
0x46: {  	_ =	shalt  }
0x47: {  	_ =	shalt  }
0x48: {  	_ =	shalt  }
0x49: {  	_ =	shalt  }
0x4a: {  	_ =	shalt  }
0x4b: {  	_ =	shalt  }
0x4c: {  	_ =	shalt  }
0x4d: {  	_ =	shalt  }
0x4e: {  	_ =	shalt  }
0x4f: {  	_ =	shalt  }
0x50: {  	_ =	shalt  }
0x51: {  	_ =	shalt  }
0x52: {  	_ =	shalt  }
0x53: {  	_ =	shalt  }
0x54: {  	_ =	shalt  }
0x55: {  	_ =	shalt  }
0x56: {  	_ =	shalt  }
0x57: {  	_ =	shalt  }
0x58: {  	_ =	shalt  }
0x59: {  	_ =	shalt  }
0x5a: {  	_ =	shalt  }
0x5b: {  	_ =	shalt  }
0x5c: {  	_ =	shalt  }
0x5d: {  	_ =	shalt  }
0x5e: {  	_ =	shalt  }
0x5f: {  	_ =	shalt  }
0x60: {  	_ =	shalt  }
0x61: {  	_ =	shalt  }
0x62: {  	_ =	shalt  }
0x63: {  	_ =	shalt  }
0x64: {  	_ =	shalt  }
0x65: {  	_ =	shalt  }
0x66: {  	_ =	shalt  }
0x67: {  	_ =	shalt  }
0x68: {  	_ =	shalt  }
0x69: {  	_ =	shalt  }
0x6a: {  	_ =	shalt  }
0x6b: {  	_ =	shalt  }
0x6c: {  	_ =	shalt  }
0x6d: {  	_ =	shalt  }
0x6e: {  	_ =	shalt  }
0x6f: {  	_ =	shalt  }
0x70: {  	_ =	shalt  }
0x71: {  	_ =	shalt  }
0x72: {  	_ =	shalt  }
0x73: {  	_ =	shalt  }
0x74: {  	_ =	shalt  }
0x75: {  	_ =	shalt  }
0x76: {  	_ =	shalt  }
0x77: {  	_ =	shalt  }
0x78: {  	_ =	shalt  }
0x79: {  	_ =	shalt  }
0x7a: {  	_ =	shalt  }
0x7b: {  	_ =	shalt  }
0x7c: {  	_ =	shalt  }
0x7d: {  	_ =	shalt  }
0x7e: {  	_ =	shalt  }
0x7f: {  	_ =	shalt  }
0x80: {  	_ =	shalt  }
0x81: {  	_ =	shalt  }
0x82: {  	_ =	shalt  }
0x83: {  	_ =	shalt  }
0x84: {  	_ =	shalt  }
0x85: {  	_ =	shalt  }
0x86: {  	_ =	shalt  }
0x87: {  	_ =	shalt  }
.Lfunc_end0:
.L_simem_size_0:
called_computation_lowered:
.L_overlay_start_0:
0x88: {  	s2 =	sld [smem:$0x3FD9]  }
0x89: {  	s3 =	sld [smem:$0x3FFE];
	_ =	sdelay $0x1  }
0x8a: {  	s1 =	srdreg.scid  }
0x8b: {  	s0 =	sand.u32 $0x1, s1  }
0x8c: {  	s17 =	sshll.u32 s0, $0xA;
	s2 =	sadd.s32 s3, s2  }
0x8d: {  	s2 =	sadd.s32 s2, s17  }
0x8e: {  	[smem:$0x3FC0] =	sst s2  }
0x8f: {  	_ = 	snop  }
0x90: {  	s2 =	sld [smem:$0x3FD0];
	(tm) =	ssettm $0x1  }
0x91: {  	s18 =	sld [smem:$0x3FFB];
	_ =	sdelay $0x3  }
0x92: {  	_ =	strace s18  }
0x93: {  	s3 =	sld [smem:$0x3FFC];
	_ =	sdelay $0x3  }
0x94: {  	_ =	strace s3  }
0x95: {  	s3 =	sld [smem:$0x3FFD];
	_ =	sdelay $0x3  }
0x96: {  	_ =	strace s3  }
0x97: {  	_ =	strace $0x8FFFFFFF  }
0x98: {  	s19 =	sld [smem:$0x3FDB];
	_ =	sdelay $0x1  }
0x99: {  	s4 =	simm.s32 $_scs_section_size  }
0x9a: {  	s5 =	simm.s32 $_size__tile_overlayer_lowered;
	s6 =	simm.s32 $_tile_overlayer_lowered  }
0x9b: {  	s22 =	simm.s32 $0x1BFF;
	s21 =	sshll.u32 s6, $0x1;
	s3 =	sadd.s32 s4, s19  }
0x9c: {  	s7 =	simm.s32 $0x0;
	s20 =	sshll.u32 s5, $0x1;
	s5 =	sadd.s32 s21, s3  }
0x9d: {  	[timem:s7], [sflag:s22] =	dma.local [hbm:s5], s20  }
0x9e: {  	_ =	swait.ge [sflag:s22], s20  }
0x9f: {  	s4 =	ssub.s32 $0x0, s20;
	[sflag:s22] =	ssyncset.done $0x0  }
0xa0: {  	[sflag:s22] =	ssyncadd.s32 s4;
	_ =	sdelay $0x1  }
0xa1: {  	s23 =	simm.s32 $0x1B8B  }
0xa2: {  	_ =	swait.ge [sflag:s23], $0x1  }
0xa3: {  	[sflag:s23] =	ssyncset.done $0x0  }
0xa4: {  	s25 =	simm.s32 $0x1B8E;
	s24 =	sld [smem:$0x3FFE];
	[sflag:s23] =	ssyncadd.s32 $0xFFFFFFFF  }
0xa5: {  	s26 =	simm.s32 $execute0_lowered;
	[smem:$0x3FD2] =	sst s25  }
0xa6: {  	s5 =	sshll.u32 s26, $0x1;
	_ =	strace $0x80000046;
	[dreg:$0x1] =	wrdreg $0xFFFFFFFF  }
0xa7: {  	s28 =	simm.s32 $_size_execute0_lowered;
	s3 =	sadd.s32 s3, s5;
	[dreg:$0x0] =	wrdreg $0x0  }
0xa8: {  	s5 =	sshll.u32 s28, $0x1;
	[dreg:$0x2] =	wrdreg s3  }
0xa9: {  	[dreg:$0x3] =	wrdreg s5  }
0xaa: {  	[dreg:$0x4] =	wrdreg $0xC0  }
0xab: {  	_ =	task [dreg:s7], $0x5FFFF  }
0xac: {  	[dreg:$0x1] =	wrdreg $0xFFFFFFFF  }
0xad: {  	[dreg:$0x0] =	wrdreg $0x60  }
0xae: {  	[dreg:$0x2] =	wrdreg s24  }
0xaf: {  	[dreg:$0x3] =	wrdreg s2  }
0xb0: {  	[dreg:$0x4] =	wrdreg $0x9  }
0xb1: {  	_ =	task.clear_ibuf [dreg:s7], $0x5FFFF;
	_ =	strace $0x90000046  }
0xb2: {  	s29 =	simm.s32 $0x9;
	_ =	strace $0x80000048  }
0xb3: {  	_ =	swait.ge [sflag:s29], $0x1  }
0xb4: {  	[sflag:s29] =	ssyncadd.s32 $0xFFFFFFFF  }
0xb5: {  	_ =	strace $0x90000048  }
0xb6: {  	_ =	sfence  }
0xb7: {  	s30 =	sld [smem:$0x0];
	_ =	sdelay $0x2  }
0xb8: {  	s31 =	sshll.u32 s1, $0xD;
	s1 =	sshrl.u32 s1, $0x2  }
0xb9: {  	s3 =	sand.u32 $0x4000, s31;
	s1 =	sadd.s32 s1, s30  }
0xba: {  	s0 =	sor.u32 s3, s0;
	s1 =	sshll.u32 s1, $0x11  }
0xbb: {  	s0 =	sor.u32 s1, s0  }
0xbc: {  	s0 =	sadd.s32 $0x8F2B, s0  }
0xbd: {  	[sflag:s0] =	ssyncadd.remote.s32 $0x1  }
0xbe: {  	_ =	sfence.sel $0xFFFF  }
0xbf: {  	[dreg:$0x0] =	wrdreg $0xFFFFFFFF;
	(pc) =	sbr.abs _section_cstart, $3  }
0xc0: {  	[dreg:$0x1] =	wrdreg $0xFFFFFFFF  }
0xc1: {  	_ =	task.clear_ibuf [dreg:s7], $0x2FFFF;
	_ =	strace $0x9FFFFFFF  }
0xc2: {  	(tm) =	ssettm $0x7FFFFFFF  }
0xc3: {  	_ =	shalt  }
tec
execute0_lowered:
.L_overlay_start_1:
0x0: {  	(tag) =	ssettag $0x1  }
0x1: {  	s5 =	rddreg [dreg:$0x0]  }
0x2: {  	s6 =	rddreg [dreg:$0x1];
	s3 =	srdreg.scid  }
0x3: {  	s2 =	simm.s32 $0x0;
	s0 =	stileid.u32;
	s3 =	sand.u32 $0x1, s3  }
0x4: {  	s1 =	simm.s32 $0x0;
	s4 =	sshll.u32 s0, $0xB;
	s8 =	sshll.u32 s3, $0xA  }
0x5: {  	[smem:$0x7FF] =	sst s2;
	s7 =	ssub.s32 $0x2, s3;
	s4 =	sor.u32 s8, s4  }
0x6: {  	_ =	strace $0x80000047;
	s9 =	sshrl.u32 s7, $0x1;
	s8 =	sshrl.u32 s4, $0x3  }
0x7: {  	s3 =	sadd.s32 $0x1400, s5;
	s7 =	ssub.s32 s7, s9;
	s30 =	sadd.s32 s6, s8  }
0x8: {  	s5 =	sadd.s32 $0xF43800, s5;
	s31 =	smax.u32 s7, $0x1;
	[dreg:$0x3] =	wrdreg s30  }
0x9: {  	s9 =	simm.s32 $0x1;
	s8 =	simm.s32 $0x2;
	[dreg:$0x4] =	wrdreg s31  }
.LBB2_1:
0xa: {  	[dreg:$0x5] =	wrdreg s1  }
0xb: {  	s0 =	rddreg [dreg:$0x3]  }
0xc: {  	[tilespmem:s2], [sflag:$0x2] =	stream.linear.gather [hbm4b:s0+s2], $0x400, $0x38;
	[tilespmem:$0x10400] =	vst v63  }
0xd: {  	_ =	swait.ge [sflag:s8], $0x400  }
0xe: {  	[sflag:s8] =	ssyncset.done $0x0  }
0xf: {  	p1 =	por $0x1, $0x1;
	s12 =	simm.s32 $0x0;
	[sflag:s8] =	ssyncadd.s32 $0xFFFFFC00  }
.LBB2_2:
0x10: {  	s13 =	simm.s32 $0x0  }
0x11: {  	s14 =	sand.u32 $0x180, s13  }
0x12: {  	s13 =	sand.u32 $0x70, s13;
	s14 =	sadd.s32 s14, s12  }
0x13: {  	s13 =	sadd.s32 s13, s14  }
0x14: {  	v0 =	vld [tilespmem:s13+$0x0];
	_ =	sdelay $0x4  }
0x15: {  	v0 =	vshll.u32 v0, $0x4  }
0x16: {  	(v2sf) =	vpush v0, $0x0  }
0x17: {  	(v2sf) =	vpush v0, $0x1  }
0x18: {  	(v2sf) =	vpush v0, $0x2;
	_ =	sdelay $0x1  }
0x19: {  	(v2sf) =	vpush v0, $0x3;
	_ =	sdelay $0x2  }
0x1a: {  	(v2sf) =	vpush v0, $0x4;
	_ =	sdelay $0x1  }
0x1b: {  	(v2sf) =	vpush v0, $0x5;
	_ =	sdelay $0x1  }
0x1c: {  	(v2sf) =	vpush v0, $0x6;
	_ =	sdelay $0x1  }
0x1d: {  	s15 =	simm.s32 $0x4000;
	s16 =	simm.s32 $0x0;
	s17 =	simm.s32 $0x480  }
0x1e: {  	s21 =	simm.s32 $0x700;
	s22 =	simm.s32 $0x780;
	s23 =	simm.s32 $0x400  }
0x1f: {  	s26 =	simm.s32 $0x600;
	s29 =	simm.s32 $0x500;
	s19 =	spop (v2sf);
	(v2sf) =	vpush v0, $0x7  }
0x20: {  	s31 =	simm.s32 $0x580;
	s19 =	sand.u32 $0x1FFFFFF0, s19;
	s20 =	spop (v2sf)  }
0x21: {  	s7 =	simm.s32 $0x680;
	(v2sf) =	vpush v0, $0x8;
	s19 =	sadd.s32 s3, s19;
	s28 =	spop (v2sf)  }
0x22: {  	(v2sf) =	vpush v0, $0x9;
	[tilespmem:s23], [sflag:$0x1] =	stream.linear.gather [hbm4b:s19+s2], $0x80, $0x38;
	[tilespmem:$0x10400] =	vst v63  }
0x23: {  	p0 =	por p1, p1;
	s20 =	sand.u32 $0x1FFFFFF0, s20;
	s30 =	spop (v2sf);
	(v2sf) =	vpush v0, $0xA  }
0x24: {  	s14 =	simm.s32 $0x10;
	s20 =	sadd.s32 s3, s20;
	s19 =	sand.u32 $0x1FFFFFF0, s28  }
0x25: {  	[tilespmem:s17], [sflag:$0x1] =	stream.linear.gather [hbm4b:s20+s2], $0x80, $0x38;
	[tilespmem:$0x10400] =	vst v63  }
0x26: {  	s24 =	spop (v2sf);
	s19 =	sadd.s32 s3, s19;
	s20 =	sand.u32 $0x1FFFFFF0, s30  }
0x27: {  	[tilespmem:s29], [sflag:$0x1] =	stream.linear.gather [hbm4b:s19+s2], $0x80, $0x38;
	[tilespmem:$0x10400] =	vst v63  }
0x28: {  	(v2sf) =	vpush v0, $0xB;
	s24 =	sand.u32 $0x1FFFFFF0, s24;
	s1 =	spop (v2sf);
	s0 =	sadd.s32 s3, s20  }
0x29: {  	[tilespmem:s31], [sflag:$0x1] =	stream.linear.gather [hbm4b:s0+s2], $0x80, $0x38;
	[tilespmem:$0x10400] =	vst v63  }
0x2a: {  	s6 =	sadd.s32 s3, s24;
	s17 =	sand.u32 $0x1FFFFFF0, s1;
	s10 =	spop (v2sf)  }
0x2b: {  	[tilespmem:s26], [sflag:$0x1] =	stream.linear.gather [hbm4b:s6+s2], $0x80, $0x38;
	[tilespmem:$0x10400] =	vst v63  }
0x2c: {  	s13 =	simm.s32 $0x2000;
	(v2sf) =	vpush v0, $0xC;
	s24 =	sand.u32 $0x1FFFFFF0, s10;
	s17 =	sadd.s32 s3, s17  }
0x2d: {  	[tilespmem:s7], [sflag:$0x1] =	stream.linear.gather [hbm4b:s17+s2], $0x80, $0x38;
	[tilespmem:$0x10400] =	vst v63  }
0x2e: {  	s18 =	sand.u32 $0x180, s14;
	s24 =	sadd.s32 s3, s24;
	s11 =	spop (v2sf);
	(v2sf) =	vpush v0, $0xD  }
0x2f: {  	[tilespmem:s21], [sflag:$0x1] =	stream.linear.gather [hbm4b:s24+s2], $0x80, $0x38;
	[tilespmem:$0x10400] =	vst v63  }
0x30: {  	s18 =	sadd.s32 s18, s12;
	s28 =	simm.s32 $0x800;
	s25 =	spop (v2sf);
	(v2sf) =	vpush v0, $0xE  }
0x31: {  	s30 =	simm.s32 $0x880;
	s20 =	simm.s32 $0x980;
	s26 =	spop (v2sf)  }
0x32: {  	s19 =	simm.s32 $0x900;
	s24 =	sand.u32 $0x1FFFFFF0, s11;
	s31 =	spop (v2sf);
	(v2sf) =	vpush v0, $0xF  }
0x33: {  	s17 =	simm.s32 $0xB80;
	s23 =	sand.u32 $0x1FFFFFF0, s25;
	s21 =	sadd.s32 s3, s24  }
0x34: {  	[tilespmem:s22], [sflag:$0x1] =	stream.linear.gather [hbm4b:s21+s2], $0x80, $0x38;
	[tilespmem:$0x10400] =	vst v63  }
0x35: {  	s29 =	sand.u32 $0x1FFFFFF0, s26;
	s23 =	sadd.s32 s3, s23;
	s21 =	simm.s32 $0xA80  }
0x36: {  	[tilespmem:s28], [sflag:$0x1] =	stream.linear.gather [hbm4b:s23+s2], $0x80, $0x38;
	[tilespmem:$0x10400] =	vst v63  }
0x37: {  	s22 =	sadd.s32 s3, s29;
	s25 =	spop (v2sf);
	s23 =	sand.u32 $0x1FFFFFF0, s31  }
0x38: {  	[tilespmem:s30], [sflag:$0x1] =	stream.linear.gather [hbm4b:s22+s2], $0x80, $0x38;
	[tilespmem:$0x10400] =	vst v63  }
0x39: {  	s24 =	sadd.s32 s3, s23;
	s23 =	sand.u32 $0x1FFFFFF0, s25;
	s22 =	simm.s32 $0xA00  }
.LBB2_3:
0x3a: {  	p1 =	sne.s32 s15, $0x3E000  }
0x3b: {  	s25 =	sand.u32 $0x70, s14;
	s26 =	spop (v2sf);
	s28 =	smov.u32 s15  }
0x3c: {  	[tilespmem:s19], [sflag:$0x1] =	stream.linear.gather [hbm4b:s24+s2], $0x80, $0x38;
	[tilespmem:$0x10400] =	vst v63  }
0x3d: {  	s19 =	sadd.s32 s3, s23;
	s23 =	sand.u32 $0x1FFFFFF0, s26;
	s24 =	spop (v2sf)  }
0x3e: {  	[tilespmem:s20], [sflag:$0x1] =	stream.linear.gather [hbm4b:s19+s2], $0x80, $0x38;
	[tilespmem:$0x10400] =	vst v63  }
0x3f: {  	s19 =	sadd.s32 s3, s23;
	s20 =	sand.u32 $0x1FFFFFF0, s24;
	s23 =	spop (v2sf)  }
0x40: {  	[tilespmem:s22], [sflag:$0x1] =	stream.linear.gather [hbm4b:s19+s2], $0x80, $0x38;
	[tilespmem:$0x10400] =	vst v63  }
0x41: {  	s19 =	sadd.s32 s3, s20;
	s20 =	sand.u32 $0x1FFFFFF0, s23;
	s22 =	spop (v2sf)  }
0x42: {  	[tilespmem:s21], [sflag:$0x1] =	stream.linear.gather [hbm4b:s19+s2], $0x80, $0x38;
	[tilespmem:$0x10400] =	vst v63  }
0x43: {  	s16 =	sadd.s32 $0xB00, s16;
	s19 =	sadd.s32 s3, s20;
	s20 =	sand.u32 $0x1FFFFFF0, s22  }
0x44: {  	[tilespmem:s16], [sflag:$0x1] =	stream.linear.gather [hbm4b:s19+s2], $0x80, $0x38;
	[tilespmem:$0x10400] =	vst v63  }
0x45: {  	s15 =	sadd.s32 $0x2000, s15;
	s16 =	sadd.s32 s25, s18;
	s18 =	sadd.s32 s3, s20  }
0x46: {  	[tilespmem:s17], [sflag:$0x1] =	stream.linear.gather [hbm4b:s18+s2], $0x80, $0x38;
	[tilespmem:$0x10400] =	vst v63  }
0x47: {  	v0 =	vld [tilespmem:s16+$0x0];
	_ =	sdelay $0x4  }
0x48: {  	v0 =	vshll.u32 v0, $0x4  }
0x49: {  	(v2sf) =	vpush v0, $0x0  }
0x4a: {  	(v2sf) =	vpush v0, $0x1  }
0x4b: {  	(v2sf) =	vpush v0, $0x2  }
0x4c: {  	(v2sf) =	vpush v0, $0x3;
	_ =	sdelay $0x1  }
0x4d: {  	(v2sf) =	vpush v0, $0x4;
	_ =	sdelay $0x1  }
0x4e: {  	s14 =	sadd.s32 $0x10, s14;
	(v2sf) =	vpush v0, $0x5  }
0x4f: {  	s18 =	sand.u32 $0x180, s14;
	s16 =	sshra.s32 s13, $0x2;
	s13 =	smov.u32 s28  }
0x50: {  	s29 =	sadd.s32 $0x480, s16;
	s24 =	sadd.s32 $0x700, s16;
	s23 =	sadd.s32 $0x780, s16;
	(v2sf) =	vpush v0, $0x6  }
0x51: {  	s30 =	sadd.s32 $0x400, s16;
	s31 =	sadd.s32 $0x600, s16;
	s19 =	sadd.s32 $0x900, s16  }
0x52: {  	s28 =	sadd.s32 $0x680, s16;
	s20 =	sadd.s32 $0x980, s16;
	s17 =	sadd.s32 $0xB80, s16;
	(v2sf) =	vpush v0, $0x7  }
0x53: {  	s18 =	sadd.s32 s18, s12;
	s25 =	sadd.s32 $0x800, s16;
	s22 =	sadd.s32 $0xA00, s16  }
0x54: {  	s21 =	sadd.s32 $0xA80, s16;
	(v2sf) =	vpush v0, $0x8  }
0x55: {  	s26 =	sadd.s32 $0x880, s16  }
0x56: {  	s0 =	sadd.s32 $0x580, s16;
	s1 =	spop (v2sf);
	(v2sf) =	vpush v0, $0x9  }
0x57: {  	s1 =	sand.u32 $0x1FFFFFF0, s1;
	s6 =	spop (v2sf)  }
0x58: {  	s7 =	sadd.s32 $0x500, s16;
	s6 =	sand.u32 $0x1FFFFFF0, s6;
	s11 =	spop (v2sf);
	(v2sf) =	vpush v0, $0xA  }
0x59: {  	s1 =	sadd.s32 s3, s1;
	s11 =	sand.u32 $0x1FFFFFF0, s11;
	s10 =	spop (v2sf)  }
0x5a: {  	[tilespmem:s30], [sflag:$0x1] =	stream.linear.gather [hbm4b:s1+s2], $0x80, $0x38;
	(v2sf) =	vpush v0, $0xB;
	[tilespmem:$0x10400] =	vst v63  }
0x5b: {  	s1 =	sadd.s32 s3, s6;
	s6 =	sand.u32 $0x1FFFFFF0, s10;
	s10 =	spop (v2sf)  }
0x5c: {  	[tilespmem:s29], [sflag:$0x1] =	stream.linear.gather [hbm4b:s1+s2], $0x80, $0x38;
	[tilespmem:$0x10400] =	vst v63  }
0x5d: {  	s1 =	sadd.s32 s3, s11;
	s10 =	sand.u32 $0x1FFFFFF0, s10;
	s11 =	spop (v2sf)  }
0x5e: {  	[tilespmem:s7], [sflag:$0x1] =	stream.linear.gather [hbm4b:s1+s2], $0x80, $0x38;
	(v2sf) =	vpush v0, $0xC;
	[tilespmem:$0x10400] =	vst v63  }
0x5f: {  	s1 =	sadd.s32 s3, s6;
	s6 =	sand.u32 $0x1FFFFFF0, s11;
	s7 =	spop (v2sf)  }
0x60: {  	[tilespmem:s0], [sflag:$0x1] =	stream.linear.gather [hbm4b:s1+s2], $0x80, $0x38;
	(v2sf) =	vpush v0, $0xD;
	[tilespmem:$0x10400] =	vst v63  }
0x61: {  	s0 =	sadd.s32 s3, s10;
	s1 =	sand.u32 $0x1FFFFFF0, s7;
	s7 =	spop (v2sf)  }
0x62: {  	[tilespmem:s31], [sflag:$0x1] =	stream.linear.gather [hbm4b:s0+s2], $0x80, $0x38;
	(v2sf) =	vpush v0, $0xE;
	[tilespmem:$0x10400] =	vst v63  }
0x63: {  	s0 =	sadd.s32 s3, s6;
	s6 =	sand.u32 $0x1FFFFFF0, s7;
	s7 =	spop (v2sf)  }
0x64: {  	[tilespmem:s28], [sflag:$0x1] =	stream.linear.gather [hbm4b:s0+s2], $0x80, $0x38;
	(v2sf) =	vpush v0, $0xF;
	[tilespmem:$0x10400] =	vst v63  }
0x65: {  	s0 =	sadd.s32 s3, s1;
	s1 =	sand.u32 $0x1FFFFFF0, s7;
	s7 =	spop (v2sf)  }
0x66: {  	[tilespmem:s24], [sflag:$0x1] =	stream.linear.gather [hbm4b:s0+s2], $0x80, $0x38;
	[tilespmem:$0x10400] =	vst v63  }
0x67: {  	s0 =	sadd.s32 s3, s6;
	s6 =	sand.u32 $0x1FFFFFF0, s7;
	s7 =	spop (v2sf)  }
0x68: {  	[tilespmem:s23], [sflag:$0x1] =	stream.linear.gather [hbm4b:s0+s2], $0x80, $0x38;
	[tilespmem:$0x10400] =	vst v63  }
.Ltmp0:
0x69: {  	_ = 	snop;
	(pc) =	sbr.rel @p1 .LBB2_3-.Ltmp0, $4  }
0x6a: {  	s0 =	sadd.s32 s3, s1;
	s1 =	sand.u32 $0x1FFFFFF0, s7;
	s7 =	spop (v2sf)  }
0x6b: {  	[tilespmem:s25], [sflag:$0x1] =	stream.linear.gather [hbm4b:s0+s2], $0x80, $0x38;
	[tilespmem:$0x10400] =	vst v63  }
0x6c: {  	s24 =	sadd.s32 s3, s1;
	s0 =	sadd.s32 s3, s6;
	s23 =	sand.u32 $0x1FFFFFF0, s7  }
0x6d: {  	[tilespmem:s26], [sflag:$0x1] =	stream.linear.gather [hbm4b:s0+s2], $0x80, $0x38;
	[tilespmem:$0x10400] =	vst v63  }
0x6e: {  	[tilespmem:s19], [sflag:$0x1] =	stream.linear.gather [hbm4b:s24+s2], $0x80, $0x38;
	[tilespmem:$0x10400] =	vst v63  }
0x6f: {  	s0 =	sadd.s32 s3, s23;
	s10 =	spop (v2sf)  }
0x70: {  	[tilespmem:s20], [sflag:$0x1] =	stream.linear.gather [hbm4b:s0+s2], $0x80, $0x38;
	[tilespmem:$0x10400] =	vst v63  }
0x71: {  	s0 =	sand.u32 $0x1FFFFFF0, s10  }
0x72: {  	s11 =	spop (v2sf);
	s0 =	sadd.s32 s3, s0  }
0x73: {  	[tilespmem:s22], [sflag:$0x1] =	stream.linear.gather [hbm4b:s0+s2], $0x80, $0x38;
	[tilespmem:$0x10400] =	vst v63  }
0x74: {  	s0 =	sand.u32 $0x1FFFFFF0, s11  }
0x75: {  	s15 =	spop (v2sf);
	s0 =	sadd.s32 s3, s0  }
0x76: {  	[tilespmem:s21], [sflag:$0x1] =	stream.linear.gather [hbm4b:s0+s2], $0x80, $0x38;
	[tilespmem:$0x10400] =	vst v63  }
0x77: {  	s0 =	sand.u32 $0x1FFFFFF0, s15  }
0x78: {  	s1 =	sadd.s32 $0xB00, s16;
	s16 =	spop (v2sf);
	s0 =	sadd.s32 s3, s0  }
0x79: {  	[tilespmem:s1], [sflag:$0x1] =	stream.linear.gather [hbm4b:s0+s2], $0x80, $0x38;
	[tilespmem:$0x10400] =	vst v63  }
0x7a: {  	s0 =	sand.u32 $0x1FFFFFF0, s16  }
0x7b: {  	s0 =	sadd.s32 s3, s0  }
0x7c: {  	[tilespmem:s17], [sflag:$0x1] =	stream.linear.gather [hbm4b:s0+s2], $0x80, $0x38;
	[tilespmem:$0x10400] =	vst v63  }
0x7d: {  	s17 =	sand.u32 $0x70, s14  }
0x7e: {  	s0 =	sadd.s32 s17, s18  }
0x7f: {  	v0 =	vld [tilespmem:s0+$0x0];
	_ =	sdelay $0x4  }
0x80: {  	v0 =	vshll.u32 v0, $0x4  }
0x81: {  	(v2sf) =	vpush v0, $0x0;
	_ =	sdelay $0x1  }
0x82: {  	(v2sf) =	vpush v0, $0x1;
	_ =	sdelay $0x1  }
0x83: {  	(v2sf) =	vpush v0, $0x2;
	_ =	sdelay $0x2  }
0x84: {  	(v2sf) =	vpush v0, $0x3;
	_ =	sdelay $0x7  }
0x85: {  	s19 =	spop (v2sf);
	(v2sf) =	vpush v0, $0x4;
	_ =	sdelay $0x1  }
0x86: {  	s21 =	spop (v2sf);
	(v2sf) =	vpush v0, $0x5;
	_ =	sdelay $0x1  }
0x87: {  	s23 =	spop (v2sf);
	(v2sf) =	vpush v0, $0x6;
	_ =	sdelay $0x1  }
0x88: {  	s13 =	sshra.s32 s13, $0x2;
	s0 =	sand.u32 $0x1FFFFFF0, s19  }
0x89: {  	s20 =	sadd.s32 $0x400, s13;
	s0 =	sadd.s32 s3, s0;
	s25 =	spop (v2sf);
	(v2sf) =	vpush v0, $0x7  }
0x8a: {  	[tilespmem:s20], [sflag:$0x1] =	stream.linear.gather [hbm4b:s0+s2], $0x80, $0x38;
	[tilespmem:$0x10400] =	vst v63  }
0x8b: {  	s0 =	sand.u32 $0x1FFFFFF0, s21  }
0x8c: {  	s22 =	sadd.s32 $0x480, s13;
	s0 =	sadd.s32 s3, s0  }
0x8d: {  	[tilespmem:s22], [sflag:$0x1] =	stream.linear.gather [hbm4b:s0+s2], $0x80, $0x38;
	[tilespmem:$0x10400] =	vst v63  }
0x8e: {  	s0 =	sand.u32 $0x1FFFFFF0, s23  }
0x8f: {  	s24 =	sadd.s32 $0x500, s13;
	s0 =	sadd.s32 s3, s0  }
0x90: {  	[tilespmem:s24], [sflag:$0x1] =	stream.linear.gather [hbm4b:s0+s2], $0x80, $0x38;
	[tilespmem:$0x10400] =	vst v63  }
0x91: {  	s28 =	spop (v2sf);
	(v2sf) =	vpush v0, $0x8  }
0x92: {  	s0 =	sand.u32 $0x1FFFFFF0, s25  }
0x93: {  	s26 =	sadd.s32 $0x580, s13;
	s0 =	sadd.s32 s3, s0;
	s30 =	spop (v2sf);
	(v2sf) =	vpush v0, $0x9  }
0x94: {  	[tilespmem:s26], [sflag:$0x1] =	stream.linear.gather [hbm4b:s0+s2], $0x80, $0x38;
	[tilespmem:$0x10400] =	vst v63  }
0x95: {  	s0 =	sand.u32 $0x1FFFFFF0, s28;
	s1 =	spop (v2sf);
	(v2sf) =	vpush v0, $0xA  }
0x96: {  	s29 =	sadd.s32 $0x600, s13;
	s0 =	sadd.s32 s3, s0  }
0x97: {  	[tilespmem:s29], [sflag:$0x1] =	stream.linear.gather [hbm4b:s0+s2], $0x80, $0x38;
	[tilespmem:$0x10400] =	vst v63  }
0x98: {  	s7 =	spop (v2sf);
	(v2sf) =	vpush v0, $0xB  }
0x99: {  	s0 =	sand.u32 $0x1FFFFFF0, s30  }
0x9a: {  	s31 =	sadd.s32 $0x680, s13;
	s0 =	sadd.s32 s3, s0  }
0x9b: {  	[tilespmem:s31], [sflag:$0x1] =	stream.linear.gather [hbm4b:s0+s2], $0x80, $0x38;
	[tilespmem:$0x10400] =	vst v63  }
0x9c: {  	s0 =	sand.u32 $0x1FFFFFF0, s1  }
0x9d: {  	s6 =	sadd.s32 $0x700, s13;
	s0 =	sadd.s32 s3, s0  }
0x9e: {  	[tilespmem:s6], [sflag:$0x1] =	stream.linear.gather [hbm4b:s0+s2], $0x80, $0x38;
	[tilespmem:$0x10400] =	vst v63  }
0x9f: {  	s0 =	sand.u32 $0x1FFFFFF0, s7  }
0xa0: {  	s10 =	sadd.s32 $0x780, s13;
	s0 =	sadd.s32 s3, s0;
	s11 =	spop (v2sf);
	(v2sf) =	vpush v0, $0xC  }
0xa1: {  	[tilespmem:s10], [sflag:$0x1] =	stream.linear.gather [hbm4b:s0+s2], $0x80, $0x38;
	[tilespmem:$0x10400] =	vst v63  }
0xa2: {  	s15 =	spop (v2sf);
	(v2sf) =	vpush v0, $0xD  }
0xa3: {  	s0 =	sand.u32 $0x1FFFFFF0, s11  }
0xa4: {  	s14 =	sadd.s32 $0x800, s13;
	s0 =	sadd.s32 s3, s0;
	s17 =	spop (v2sf)  }
0xa5: {  	(v2sf) =	vpush v0, $0xE;
	[tilespmem:s14], [sflag:$0x1] =	stream.linear.gather [hbm4b:s0+s2], $0x80, $0x38;
	[tilespmem:$0x10400] =	vst v63  }
0xa6: {  	s0 =	sand.u32 $0x1FFFFFF0, s15  }
0xa7: {  	s16 =	sadd.s32 $0x880, s13;
	s19 =	spop (v2sf);
	s0 =	sadd.s32 s3, s0  }
0xa8: {  	(v2sf) =	vpush v0, $0xF;
	[tilespmem:s16], [sflag:$0x1] =	stream.linear.gather [hbm4b:s0+s2], $0x80, $0x38;
	[tilespmem:$0x10400] =	vst v63  }
0xa9: {  	s0 =	sand.u32 $0x1FFFFFF0, s17  }
0xaa: {  	s18 =	sadd.s32 $0x900, s13;
	s0 =	sadd.s32 s3, s0  }
0xab: {  	[tilespmem:s18], [sflag:$0x1] =	stream.linear.gather [hbm4b:s0+s2], $0x80, $0x38;
	[tilespmem:$0x10400] =	vst v63  }
0xac: {  	s0 =	sand.u32 $0x1FFFFFF0, s19  }
0xad: {  	s20 =	sadd.s32 $0x980, s13;
	s0 =	sadd.s32 s3, s0  }
0xae: {  	[tilespmem:s20], [sflag:$0x1] =	stream.linear.gather [hbm4b:s0+s2], $0x80, $0x38;
	[tilespmem:$0x10400] =	vst v63  }
0xaf: {  	s21 =	spop (v2sf)  }
0xb0: {  	s0 =	sand.u32 $0x1FFFFFF0, s21  }
0xb1: {  	s22 =	sadd.s32 $0xA00, s13;
	s23 =	spop (v2sf);
	s0 =	sadd.s32 s3, s0  }
0xb2: {  	[tilespmem:s22], [sflag:$0x1] =	stream.linear.gather [hbm4b:s0+s2], $0x80, $0x38;
	[tilespmem:$0x10400] =	vst v63  }
0xb3: {  	s0 =	sand.u32 $0x1FFFFFF0, s23  }
0xb4: {  	s24 =	sadd.s32 $0xA80, s13;
	s25 =	spop (v2sf);
	s0 =	sadd.s32 s3, s0  }
0xb5: {  	[tilespmem:s24], [sflag:$0x1] =	stream.linear.gather [hbm4b:s0+s2], $0x80, $0x38;
	[tilespmem:$0x10400] =	vst v63  }
0xb6: {  	s0 =	sand.u32 $0x1FFFFFF0, s25  }
0xb7: {  	s26 =	sadd.s32 $0xB00, s13;
	s28 =	spop (v2sf);
	s0 =	sadd.s32 s3, s0  }
0xb8: {  	[tilespmem:s26], [sflag:$0x1] =	stream.linear.gather [hbm4b:s0+s2], $0x80, $0x38;
	[tilespmem:$0x10400] =	vst v63  }
0xb9: {  	s0 =	sand.u32 $0x1FFFFFF0, s28  }
0xba: {  	s29 =	sadd.s32 $0xB80, s13;
	s0 =	sadd.s32 s3, s0  }
0xbb: {  	[tilespmem:s29], [sflag:$0x1] =	stream.linear.gather [hbm4b:s0+s2], $0x80, $0x38;
	[tilespmem:$0x10400] =	vst v63  }
0xbc: {  	s30 =	sor.u32 s4, s12;
	_ =	swait.ge [sflag:s9], $0x10000  }
0xbd: {  	s31 =	simm.s32 $0x400;
	s0 =	sshll.u32 s30, $0x4;
	[sflag:s9] =	ssyncset.done $0x0  }
.Ltmp1:
0xbe: {  	s0 =	sadd.s32 s5, s0;
	[sflag:s9] =	ssyncadd.s32 $0xFFFF0000;
	(pc) =	sbr.rel @p0 .LBB2_2-.Ltmp1, $4  }
0xbf: {  	[hbm4b:s0+s2] =	stream.linear.scatter [tilespmem:s31], [sflag:$0x2], $0x10000, $0x38;
	[tilespmem:$0x10400] =	vst v63  }
0xc0: {  	_ =	swait.ge [sflag:s8], $0x10000  }
0xc1: {  	[sflag:s8] =	ssyncset.done $0x0  }
0xc2: {  	p1 =	por $0x0, $0x0;
	s12 =	simm.s32 $0x200;
	[sflag:s8] =	ssyncadd.s32 $0xFFFF0000  }
0xc3: {  	s1 =	rddreg [dreg:$0x5]  }
0xc4: {  	s0 =	rddreg [dreg:$0x4];
	s1 =	sadd.s32 $0x1, s1  }
0xc5: {  	p0 =	sne.s32 s1, s0  }
.Ltmp2:
0xc6: {  	_ = 	snop;
	(pc) =	sbr.rel @p0 .LBB2_1-.Ltmp2, $1  }
0xc7: {  	_ =	sdelay $0x3  }
0xc8: {  	_ =	sfence.sel $0x180000  }
0xc9: {  	[bflag:$0x0] =	sbarrier.arrive $0xFFFF  }
0xca: {  	_ =	strace $0x90000047  }
0xcb: {  	s0 =	stileid.u32;
	[bflag:$0x2] =	sbarrier.arrive $0xFFFF  }
0xcc: {  	p0 =	sne.s32 s0, $0x0;
	s0 =	rddreg [dreg:$0x2]  }
0xcd: {  	s0 =	sadd.s32 @!p0 $0x100000, s0  }
0xce: {  	[sflag:s0] =	ssyncadd.tile.s32 @!p0 $0x1;
	_ =	shalt  }
.Lfunc_end2:
_tile_overlayer_lowered:
.L_overlay_start_2:
0xcf: {  	(tag) =	ssettag $0x2  }
0xd0: {  	s0 =	rddreg [dreg:$0x0];
	s2 =	stileid.u32  }
0xd1: {  	s1 =	rddreg [dreg:$0x1];
	p0 =	sne.s32 s2, $0x0  }
0xd2: {  	s3 =	rddreg [dreg:$0x2];
	[bflag:$0x3] =	sbarrier.arrive $0xFFFF;
	s2 =	simm.s32 @!p0 $0x1C02  }
0xd3: {  	[timem:s3], [sflag:s2] =	dma.local @!p0 [hbm:s0], s1  }
0xd4: {  	s0 =	simm.s32 @!p0 $0x2  }
0xd5: {  	_ =	swait.ge @!p0 [sflag:s0], s1  }
0xd6: {  	s1 =	ssub.s32 @!p0 $0x0, s1;
	[sflag:s0] =	ssyncset.done @!p0 $0x0  }
0xd7: {  	[sflag:s0] =	ssyncadd.s32 @!p0 s1  }
0xd8: {  	[bflag:$0x3] =	sbarrier.arrive $0xFFFF  }
0xd9: {  	_ =	shalt  }

</sc_bundles>
